<compile_context>
chip_gen: v7x
topology: tpu7x:2x2x1
jax: 0.10.2.dev20260603
libtpu: 0.0.44.dev20260713+nightly
codegen_flags: <defaults>
</compile_context>

<pallas_src>
import dataclasses
import functools

import jax
import jax.numpy as jnp
from jax import lax
from jax.experimental import pallas as pl
from jax.experimental.pallas import tpu as pltpu
from jax.experimental.pallas import tpu_sc as plsc

T = 2048
D = 768
H = 1024
E = 8
CAP = 640
NSLOT = E * CAP
DISP_PAD = NSLOT + 16
NW = 32
_PREC = lax.Precision.DEFAULT



def _router_body(lg_ref, dest_ref, scale_ref, aux_ref, util_ref):
    logits = lg_ref[...]
    m = jnp.max(logits, axis=1, keepdims=True)
    p = jnp.exp(logits - m)
    probs = p / jnp.sum(p, axis=1, keepdims=True)

    eio = lax.broadcasted_iota(jnp.int32, (T, E), 1)
    v1 = jnp.max(probs, axis=1, keepdims=True)
    a1 = jnp.min(jnp.where(probs == v1, eio, E), axis=1, keepdims=True)
    m1 = eio == a1
    pm = jnp.where(m1, -1.0, probs)
    v2 = jnp.max(pm, axis=1, keepdims=True)
    a2 = jnp.min(jnp.where(pm == v2, eio, E), axis=1, keepdims=True)
    m2 = eio == a2
    oh = jnp.logical_or(m1, m2)

    counts = jnp.sum(oh.astype(jnp.float32), axis=0, keepdims=True)
    util = jnp.sum((counts > 0.0).astype(jnp.float32)) * (100.0 / E)
    meanprob = jnp.sum(probs, axis=0, keepdims=True) * (1.0 / T)
    aux = E * jnp.sum(meanprob * (counts * (1.0 / T)))
    util_ref[...] = jnp.reshape(util, (1, 1))
    aux_ref[...] = jnp.reshape(aux, (1, 1))

    pos = oh.astype(jnp.int32)
    sh = 1
    while sh < T:
        shifted = jnp.concatenate(
            [jnp.zeros((sh, E), jnp.int32), pos[: T - sh]], axis=0)
        pos = pos + shifted
        sh *= 2
    kept = jnp.logical_and(oh, pos <= CAP)
    slot = eio * CAP + (pos - 1)

    wsum = v1 + v2
    s1 = v1 / wsum
    s2 = v2 / wsum

    def pick(mk):
        sel = jnp.logical_and(mk, kept)
        d = jnp.sum(jnp.where(sel, slot, 0), axis=1, keepdims=True)
        k = jnp.sum(sel.astype(jnp.int32), axis=1, keepdims=True) > 0
        return d, k

    d1, k1 = pick(m1)
    d2, k2 = pick(m2)
    dest_ref[...] = jnp.concatenate(
        [jnp.where(k1, d1, NSLOT), jnp.where(k2, d2, NSLOT)], axis=1)
    scale_ref[...] = jnp.concatenate(
        [jnp.where(k1, s1, 0.0), jnp.where(k2, s2, 0.0)], axis=1)


def _router(logits):
    return pl.pallas_call(
        _router_body,
        out_shape=[
            jax.ShapeDtypeStruct((T, 2), jnp.int32),
            jax.ShapeDtypeStruct((T, 2), jnp.float32),
            jax.ShapeDtypeStruct((1, 1), jnp.float32),
            jax.ShapeDtypeStruct((1, 1), jnp.float32),
        ],
    )(logits)



def _build_disp(dest_flat):
    mesh = plsc.VectorSubcoreMesh(core_axis_name="c", subcore_axis_name="s")
    cp = pltpu.CompilerParams()
    if "needs_layout_passes" in pltpu.CompilerParams.__dataclass_fields__:
        cp = dataclasses.replace(cp, needs_layout_passes=False)

    @functools.partial(
        pl.kernel,
        out_type=[jax.ShapeDtypeStruct((NSLOT,), jnp.int32),
                  jax.ShapeDtypeStruct((2 * T,), jnp.int32)],
        mesh=mesh,
        compiler_params=cp,
        scratch_types=[
            pltpu.VMEM((2 * T,), jnp.int32),
            pltpu.VMEM((DISP_PAD,), jnp.int32),
            pltpu.VMEM((2 * T,), jnp.int32),
        ],
    )
    def k(dest_hbm, disp_hbm, destc_hbm, dest_v, disp_v, destc_v):
        wid = lax.axis_index("s") * 2 + lax.axis_index("c")

        @pl.when(wid == 0)
        def _():
            pltpu.sync_copy(dest_hbm, dest_v)

            @pl.loop(0, DISP_PAD // 16)
            def _(i):
                disp_v[pl.ds(i * 16, 16)] = (
                    (i * 16 + lax.iota(jnp.int32, 16)) & (T - 1))

            @pl.loop(0, (2 * T) // 16)
            def _(i):
                j16 = i * 16 + lax.iota(jnp.int32, 16)
                tok16 = lax.shift_right_logical(j16, 1)
                slot16 = dest_v[pl.ds(i * 16, 16)]
                plsc.store_scatter(disp_v, [slot16], tok16)

            pltpu.sync_copy(disp_v.at[pl.ds(0, NSLOT)], disp_hbm)

        @pl.when(wid == 1)
        def _():
            pltpu.sync_copy(dest_hbm, dest_v)

            @pl.loop(0, (2 * T) // 16)
            def _(i):
                j16 = i * 16 + lax.iota(jnp.int32, 16)
                tok16 = j16 & (T - 1)
                k16 = lax.shift_right_logical(j16, 11)
                src16 = lax.shift_left(tok16, 1) + k16
                v16 = plsc.load_gather(dest_v, [src16])
                destc_v[pl.ds(i * 16, 16)] = jnp.where(v16 >= NSLOT, 0, v16)

            pltpu.sync_copy(destc_v, destc_hbm)

    return k(dest_flat)



def _sc_gather(table, idx, nchunks):
    nrows, d = idx.shape[0], table.shape[1]
    per_w = nrows // NW
    chunk = per_w // nchunks
    assert chunk * nchunks == per_w and chunk <= 128 and chunk % 8 == 0
    mesh = plsc.VectorSubcoreMesh(core_axis_name="c", subcore_axis_name="s")

    @functools.partial(
        pl.kernel,
        out_type=jax.ShapeDtypeStruct((nrows, d), jnp.float32),
        mesh=mesh,
        scratch_types=(
            [pltpu.VMEM((nchunks, chunk), jnp.int32)]
            + [pltpu.VMEM((chunk, d), jnp.float32)] * nchunks
            + [pltpu.SemaphoreType.DMA] * (2 * nchunks)
        ),
    )
    def k(table_hbm, idx_hbm, out_hbm, idx_v, *bufs_and_sems):
        rows = bufs_and_sems[:nchunks]
        sg = bufs_and_sems[nchunks:2 * nchunks]
        so = bufs_and_sems[2 * nchunks:]
        wid = lax.axis_index("s") * 2 + lax.axis_index("c")
        base = wid * per_w
        for j in range(nchunks):
            pltpu.sync_copy(idx_hbm.at[pl.ds(base + j * chunk, chunk)],
                            idx_v.at[j])
        gs = [pltpu.async_copy(table_hbm.at[idx_v.at[j]], rows[j], sg[j])
              for j in range(nchunks)]
        os = []
        for j in range(nchunks):
            gs[j].wait()
            os.append(pltpu.async_copy(
                rows[j], out_hbm.at[pl.ds(base + j * chunk, chunk)], so[j]))
        for o in os:
            o.wait()

    return k(table, idx)



_HD = D // 2


def _pack_halves(a, b):
    ua = lax.bitcast_convert_type(a, jnp.uint32)
    ub = lax.bitcast_convert_type(b, jnp.uint32)
    pa = lax.shift_right_logical(ua + jnp.uint32(0x8000), jnp.uint32(16))
    pb = (ub + jnp.uint32(0x8000)) & jnp.uint32(0xFFFF0000)
    return lax.bitcast_convert_type(pa | pb, jnp.float32)


def _unpack_halves(p):
    up = lax.bitcast_convert_type(p, jnp.uint32)
    a = lax.bitcast_convert_type(lax.shift_left(up, jnp.uint32(16)),
                                 jnp.float32)
    b = lax.bitcast_convert_type(up & jnp.uint32(0xFFFF0000), jnp.float32)
    return jnp.concatenate([a, b], axis=1)


def _pack_x_body(x_ref, o_ref):
    xv = x_ref[...]
    o_ref[...] = _pack_halves(xv[:, :_HD], xv[:, _HD:])


def _pack_x(x):
    return pl.pallas_call(
        _pack_x_body,
        out_shape=jax.ShapeDtypeStruct((T, _HD), jnp.float32),
    )(x)



def _swiglu_block(xb, w1, w2, w3):
    h1 = lax.dot_general(xb, w1, (((1,), (1,)), ((), ())),
                         preferred_element_type=jnp.float32, precision=_PREC)
    h3 = lax.dot_general(xb, w3, (((1,), (1,)), ((), ())),
                         preferred_element_type=jnp.float32, precision=_PREC)
    g = h1 * (1.0 / (1.0 + jnp.exp(-h1))) * h3
    return lax.dot_general(g, w2, (((1,), (1,)), ((), ())),
                           preferred_element_type=jnp.float32,
                           precision=_PREC)


def _expert_ffn_body(x_ref, w1_ref, w2_ref, w3_ref, o_ref):
    xb = _unpack_halves(x_ref[0])
    y = _swiglu_block(xb, w1_ref[0], w2_ref[0], w3_ref[0])
    o_ref[0] = _pack_halves(y[:, :_HD], y[:, _HD:])


def _expert_ffn(xbufh3, w1s, w2s, w3s):
    return pl.pallas_call(
        _expert_ffn_body,
        grid=(E,),
        in_specs=[
            pl.BlockSpec((1, CAP, _HD), lambda e: (e, 0, 0)),
            pl.BlockSpec((1, H, D), lambda e: (e, 0, 0)),
            pl.BlockSpec((1, D, H), lambda e: (e, 0, 0)),
            pl.BlockSpec((1, H, D), lambda e: (e, 0, 0)),
        ],
        out_specs=pl.BlockSpec((1, CAP, _HD), lambda e: (e, 0, 0)),
        out_shape=jax.ShapeDtypeStruct((E, CAP, _HD), jnp.float32),
    )(xbufh3, w1s, w2s, w3s)


def _shared_ffn_body(x_ref, w1_ref, w2_ref, w3_ref, o_ref):
    o_ref[...] = _swiglu_block(x_ref[...], w1_ref[...], w2_ref[...],
                               w3_ref[...])


def _shared_ffn(x, sw1, sw2, sw3):
    nb = 4
    return pl.pallas_call(
        _shared_ffn_body,
        grid=(nb,),
        in_specs=[
            pl.BlockSpec((T // nb, D), lambda i: (i, 0)),
            pl.BlockSpec((H, D), lambda i: (0, 0)),
            pl.BlockSpec((D, H), lambda i: (0, 0)),
            pl.BlockSpec((H, D), lambda i: (0, 0)),
        ],
        out_specs=pl.BlockSpec((T // nb, D), lambda i: (i, 0)),
        out_shape=jax.ShapeDtypeStruct((T, D), jnp.float32),
    )(x, sw1, sw2, sw3)



def _combine_body(g0_ref, g1_ref, sh_ref, s_ref, o_ref):
    g0 = _unpack_halves(g0_ref[...])
    g1 = _unpack_halves(g1_ref[...])
    s = s_ref[...]
    o_ref[...] = sh_ref[...] + s[:, 0:1] * g0 + s[:, 1:2] * g1


def _combine(gh, shared, scale):
    nb = 4
    return pl.pallas_call(
        _combine_body,
        grid=(nb,),
        in_specs=[
            pl.BlockSpec((T // nb, _HD), lambda i: (i, 0)),
            pl.BlockSpec((T // nb, _HD), lambda i: (i + nb, 0)),
            pl.BlockSpec((T // nb, D), lambda i: (i, 0)),
            pl.BlockSpec((T // nb, 2), lambda i: (i, 0)),
        ],
        out_specs=pl.BlockSpec((T // nb, D), lambda i: (i, 0)),
        out_shape=jax.ShapeDtypeStruct((T, D), jnp.float32),
    )(gh, gh, shared, scale)



def kernel(x_in, router_w, w1s, w2s, w3s, sw1, sw2, sw3):
    x = x_in.reshape(T, D)
    logits = x @ router_w.T
    dest, scale, aux, util = _router(logits)
    disp, destc = _build_disp(dest.reshape(-1))
    xh = _pack_x(x)
    xbufh = _sc_gather(xh, disp, nchunks=4)
    shared = _shared_ffn(x, sw1, sw2, sw3)
    yh = _expert_ffn(xbufh.reshape(E, CAP, _HD), w1s, w2s, w3s)
    gh = _sc_gather(yh.reshape(NSLOT, _HD), destc, nchunks=4)
    out = _combine(gh, shared, scale)
    return (out.reshape(x_in.shape), aux.reshape(()), util.reshape(()))

# --- scband reference (transcript-rebuilt; emitter-appended) ---
"""Pipeline reference for scband-mo-elayer-38912403702357 (READ-ONLY COPY).

The authoritative reference and input builder live on the scoring server;
editing this copy changes nothing except your own understanding.
"""

import jax, jax.numpy as jnp
import numpy as np

N_EXPERTS = 8
TOP_K = 2
CAP_FACTOR = 1.25
D_MODEL = 768
HIDDEN = 4 * D_MODEL // 3  # 1024


def setup_inputs(seed: int = 0) -> dict:
    key = jax.random.key(seed)
    ks = jax.random.split(key, 8)
    x_in = jax.random.normal(ks[0], (1, 2048, D_MODEL), dtype=jnp.float32)
    router_w = jax.random.normal(ks[1], (N_EXPERTS, D_MODEL), dtype=jnp.float32) * 0.02
    w1s = jax.random.normal(ks[2], (N_EXPERTS, HIDDEN, D_MODEL), dtype=jnp.float32) * 0.02
    w2s = jax.random.normal(ks[3], (N_EXPERTS, D_MODEL, HIDDEN), dtype=jnp.float32) * 0.02
    w3s = jax.random.normal(ks[4], (N_EXPERTS, HIDDEN, D_MODEL), dtype=jnp.float32) * 0.02
    sw1 = jax.random.normal(ks[5], (HIDDEN, D_MODEL), dtype=jnp.float32) * 0.02
    sw2 = jax.random.normal(ks[6], (D_MODEL, HIDDEN), dtype=jnp.float32) * 0.02
    sw3 = jax.random.normal(ks[7], (HIDDEN, D_MODEL), dtype=jnp.float32) * 0.02
    return {"x_in": x_in, "router_w": router_w, "w1s": w1s, "w2s": w2s,
            "w3s": w3s, "sw1": sw1, "sw2": sw2, "sw3": sw3}


def _swiglu(x, w1, w2, w3):
    return (jax.nn.silu(x @ w1.T) * (x @ w3.T)) @ w2.T


def reference(x_in, router_w, w1s, w2s, w3s, sw1, sw2, sw3):
    b_sz, s_len, d_dim = x_in.shape
    x_flat = x_in.reshape(-1, d_dim)
    num_tokens = b_sz * s_len
    router_logits = x_flat @ router_w.T
    router_probs = jax.nn.softmax(router_logits, axis=-1)
    weights, indices = jax.lax.top_k(router_probs, TOP_K)
    weights = weights / jnp.sum(weights, axis=-1, keepdims=True)
    # expert counts via scatter-add (pre-capacity, as in torch)
    expert_counts = jnp.zeros((N_EXPERTS,), dtype=jnp.float32).at[indices.reshape(-1)].add(1.0)
    utilization = jnp.mean((expert_counts > 0).astype(jnp.float32)) * 100.0
    fraction = expert_counts / num_tokens
    mean_prob = jnp.mean(router_probs, axis=0)
    aux_loss = N_EXPERTS * jnp.sum(mean_prob * fraction)
    expert_capacity = int(num_tokens * TOP_K / N_EXPERTS * CAP_FACTOR)
    moe_out = jnp.zeros_like(x_flat)
    for i in range(N_EXPERTS):
        expert_mask = (indices == i)
        mask = jnp.any(expert_mask, axis=-1)
        # capacity limiting: keep only the first `expert_capacity` routed tokens
        keep = mask & (jnp.cumsum(mask.astype(jnp.int32)) <= expert_capacity)
        token_weights = jnp.sum(weights * expert_mask.astype(weights.dtype), axis=-1, keepdims=True)
        out_i = _swiglu(x_flat, w1s[i], w2s[i], w3s[i])
        moe_out = moe_out + keep[:, None].astype(x_flat.dtype) * token_weights * out_i
    final_out = moe_out.reshape(b_sz, s_len, d_dim)
    final_out = final_out + _swiglu(x_in, sw1, sw2, sw3)
    return (final_out, aux_loss, utilization)

if __name__ == "__main__":
    import jax
    _d = setup_inputs()
    print(jax.jit(kernel)(*tuple(_d.values())))

</pallas_src>

<mosaic_0001>
#map = affine_map<(d0, d1) -> (0, 0)>
#map1 = affine_map<(d0, d1) -> (0)>
module attributes {stable_mosaic.version = 14 : i64} {
  func.func @k(%arg0: i32, %arg1: i32, %arg2: memref<2048x384xf32, #tpu.memory_space<hbm>>, %arg3: memref<5120xi32, #tpu.memory_space<hbm>>, %arg4: memref<5120x384xf32, #tpu.memory_space<hbm>>, %arg5: memref<4x40xi32, #tpu.memory_space<vmem>>, %arg6: memref<40x384xf32, #tpu.memory_space<vmem>>, %arg7: memref<40x384xf32, #tpu.memory_space<vmem>>, %arg8: memref<40x384xf32, #tpu.memory_space<vmem>>, %arg9: memref<40x384xf32, #tpu.memory_space<vmem>>, %arg10: memref<!tpu.dma_semaphore, #tpu.memory_space<semaphore_mem>>, %arg11: memref<!tpu.dma_semaphore, #tpu.memory_space<semaphore_mem>>, %arg12: memref<!tpu.dma_semaphore, #tpu.memory_space<semaphore_mem>>, %arg13: memref<!tpu.dma_semaphore, #tpu.memory_space<semaphore_mem>>, %arg14: memref<!tpu.dma_semaphore, #tpu.memory_space<semaphore_mem>>, %arg15: memref<!tpu.dma_semaphore, #tpu.memory_space<semaphore_mem>>, %arg16: memref<!tpu.dma_semaphore, #tpu.memory_space<semaphore_mem>>, %arg17: memref<!tpu.dma_semaphore, #tpu.memory_space<semaphore_mem>>) attributes {dimension_semantics = [#tpu.dimension_semantics<core_parallel>, #tpu.dimension_semantics<subcore_parallel>], iteration_bounds = array<i64: 2, 16>, scalar_prefetch = 0 : i64, scratch_operands = 13 : i64, tpu.core_type = #tpu.core_type<sc_vector_subcore>, window_params = [{transform_indices = #map}, {transform_indices = #map1}, {transform_indices = #map}]} {
    %mul3A = arith.constant 2 : i32
    %mul3A_0 = arith.muli %arg1, %mul3A : i32
    %add3A = arith.addi %mul3A_0, %arg0 : i32
    %mul3A_1 = arith.constant 160 : i32
    %mul3A_2 = arith.muli %add3A, %mul3A_1 : i32
    %add3A_3 = arith.constant 0 : i32
    %add3A_4 = arith.addi %mul3A_2, %add3A_3 : i32
    %run_scoped3A = arith.constant 0 : i32
    "tpu.region"() ({
      %run_scoped3A_108 = tpu.sem_alloc : memref<!tpu.dma_semaphore, #tpu.memory_space<semaphore_mem>>
      %dma_start3A_109 = arith.constant 0 : i32
      %dma_start3A_110 = tpu.memref_slice %arg5[%run_scoped3A, %dma_start3A_109] : memref<4x40xi32, #tpu.memory_space<vmem>> -> memref<1x40xi32, #tpu.memory_space<vmem>>
      %dma_start3A_111 = tpu.memref_squeeze %dma_start3A_110 : memref<1x40xi32, #tpu.memory_space<vmem>> -> memref<40xi32, #tpu.memory_space<vmem>>
      %dma_start3A_112 = tpu.memref_slice %arg3[%add3A_4] : memref<5120xi32, #tpu.memory_space<hbm>> -> memref<40xi32, #tpu.memory_space<hbm>>
      %dma_start3A_113 = arith.constant 0 : i32
      %dma_start3A_114 = tpu.memref_slice %arg5[%run_scoped3A, %dma_start3A_113] : memref<4x40xi32, #tpu.memory_space<vmem>> -> memref<1x40xi32, #tpu.memory_space<vmem>>
      %dma_start3A_115 = tpu.memref_squeeze %dma_start3A_114 : memref<1x40xi32, #tpu.memory_space<vmem>> -> memref<40xi32, #tpu.memory_space<vmem>>
      %dma_start3A_116 = tpu.memref_slice %arg3[%add3A_4] : memref<5120xi32, #tpu.memory_space<hbm>> -> memref<40xi32, #tpu.memory_space<hbm>>
      tpu.enqueue_dma source(%dma_start3A_116 : memref<40xi32, #tpu.memory_space<hbm>>) target(%dma_start3A_115 : memref<40xi32, #tpu.memory_space<vmem>>) target_semaphore(%run_scoped3A_108 : memref<!tpu.dma_semaphore, #tpu.memory_space<semaphore_mem>>)
      %dma_wait3A_117 = arith.constant 0 : i32
      %dma_wait3A_118 = tpu.memref_slice %arg5[%run_scoped3A, %dma_wait3A_117] : memref<4x40xi32, #tpu.memory_space<vmem>> -> memref<1x40xi32, #tpu.memory_space<vmem>>
      %dma_wait3A_119 = tpu.memref_squeeze %dma_wait3A_118 : memref<1x40xi32, #tpu.memory_space<vmem>> -> memref<40xi32, #tpu.memory_space<vmem>>
      %dma_wait3A_120 = tpu.memref_slice %arg3[%add3A_4] : memref<5120xi32, #tpu.memory_space<hbm>> -> memref<40xi32, #tpu.memory_space<hbm>>
      %dma_wait3A_121 = arith.constant 0 : i32
      %dma_wait3A_122 = tpu.memref_slice %arg5[%run_scoped3A, %dma_wait3A_121] : memref<4x40xi32, #tpu.memory_space<vmem>> -> memref<1x40xi32, #tpu.memory_space<vmem>>
      %dma_wait3A_123 = tpu.memref_squeeze %dma_wait3A_122 : memref<1x40xi32, #tpu.memory_space<vmem>> -> memref<40xi32, #tpu.memory_space<vmem>>
      %dma_wait3A_124 = tpu.memref_slice %arg3[%add3A_4] : memref<5120xi32, #tpu.memory_space<hbm>> -> memref<40xi32, #tpu.memory_space<hbm>>
      tpu.wait_dma2 semaphore(%run_scoped3A_108 : memref<!tpu.dma_semaphore, #tpu.memory_space<semaphore_mem>>) src(%dma_wait3A_124 : memref<40xi32, #tpu.memory_space<hbm>>) dst(%dma_wait3A_123 : memref<40xi32, #tpu.memory_space<vmem>>)
      tpu.yield
    }) : () -> ()
    %add3A_5 = arith.constant 40 : i32
    %add3A_6 = arith.addi %mul3A_2, %add3A_5 : i32
    %run_scoped3A_7 = arith.constant 1 : i32
    "tpu.region"() ({
      %run_scoped3A_108 = tpu.sem_alloc : memref<!tpu.dma_semaphore, #tpu.memory_space<semaphore_mem>>
      %dma_start3A_109 = arith.constant 0 : i32
      %dma_start3A_110 = tpu.memref_slice %arg5[%run_scoped3A_7, %dma_start3A_109] : memref<4x40xi32, #tpu.memory_space<vmem>> -> memref<1x40xi32, #tpu.memory_space<vmem>>
      %dma_start3A_111 = tpu.memref_squeeze %dma_start3A_110 : memref<1x40xi32, #tpu.memory_space<vmem>> -> memref<40xi32, #tpu.memory_space<vmem>>
      %dma_start3A_112 = tpu.memref_slice %arg3[%add3A_6] : memref<5120xi32, #tpu.memory_space<hbm>> -> memref<40xi32, #tpu.memory_space<hbm>>
      %dma_start3A_113 = arith.constant 0 : i32
      %dma_start3A_114 = tpu.memref_slice %arg5[%run_scoped3A_7, %dma_start3A_113] : memref<4x40xi32, #tpu.memory_space<vmem>> -> memref<1x40xi32, #tpu.memory_space<vmem>>
      %dma_start3A_115 = tpu.memref_squeeze %dma_start3A_114 : memref<1x40xi32, #tpu.memory_space<vmem>> -> memref<40xi32, #tpu.memory_space<vmem>>
      %dma_start3A_116 = tpu.memref_slice %arg3[%add3A_6] : memref<5120xi32, #tpu.memory_space<hbm>> -> memref<40xi32, #tpu.memory_space<hbm>>
      tpu.enqueue_dma source(%dma_start3A_116 : memref<40xi32, #tpu.memory_space<hbm>>) target(%dma_start3A_115 : memref<40xi32, #tpu.memory_space<vmem>>) target_semaphore(%run_scoped3A_108 : memref<!tpu.dma_semaphore, #tpu.memory_space<semaphore_mem>>)
      %dma_wait3A_117 = arith.constant 0 : i32
      %dma_wait3A_118 = tpu.memref_slice %arg5[%run_scoped3A_7, %dma_wait3A_117] : memref<4x40xi32, #tpu.memory_space<vmem>> -> memref<1x40xi32, #tpu.memory_space<vmem>>
      %dma_wait3A_119 = tpu.memref_squeeze %dma_wait3A_118 : memref<1x40xi32, #tpu.memory_space<vmem>> -> memref<40xi32, #tpu.memory_space<vmem>>
      %dma_wait3A_120 = tpu.memref_slice %arg3[%add3A_6] : memref<5120xi32, #tpu.memory_space<hbm>> -> memref<40xi32, #tpu.memory_space<hbm>>
      %dma_wait3A_121 = arith.constant 0 : i32
      %dma_wait3A_122 = tpu.memref_slice %arg5[%run_scoped3A_7, %dma_wait3A_121] : memref<4x40xi32, #tpu.memory_space<vmem>> -> memref<1x40xi32, #tpu.memory_space<vmem>>
      %dma_wait3A_123 = tpu.memref_squeeze %dma_wait3A_122 : memref<1x40xi32, #tpu.memory_space<vmem>> -> memref<40xi32, #tpu.memory_space<vmem>>
      %dma_wait3A_124 = tpu.memref_slice %arg3[%add3A_6] : memref<5120xi32, #tpu.memory_space<hbm>> -> memref<40xi32, #tpu.memory_space<hbm>>
      tpu.wait_dma2 semaphore(%run_scoped3A_108 : memref<!tpu.dma_semaphore, #tpu.memory_space<semaphore_mem>>) src(%dma_wait3A_124 : memref<40xi32, #tpu.memory_space<hbm>>) dst(%dma_wait3A_123 : memref<40xi32, #tpu.memory_space<vmem>>)
      tpu.yield
    }) : () -> ()
    %add3A_8 = arith.constant 80 : i32
    %add3A_9 = arith.addi %mul3A_2, %add3A_8 : i32
    %run_scoped3A_10 = arith.constant 2 : i32
    "tpu.region"() ({
      %run_scoped3A_108 = tpu.sem_alloc : memref<!tpu.dma_semaphore, #tpu.memory_space<semaphore_mem>>
      %dma_start3A_109 = arith.constant 0 : i32
      %dma_start3A_110 = tpu.memref_slice %arg5[%run_scoped3A_10, %dma_start3A_109] : memref<4x40xi32, #tpu.memory_space<vmem>> -> memref<1x40xi32, #tpu.memory_space<vmem>>
      %dma_start3A_111 = tpu.memref_squeeze %dma_start3A_110 : memref<1x40xi32, #tpu.memory_space<vmem>> -> memref<40xi32, #tpu.memory_space<vmem>>
      %dma_start3A_112 = tpu.memref_slice %arg3[%add3A_9] : memref<5120xi32, #tpu.memory_space<hbm>> -> memref<40xi32, #tpu.memory_space<hbm>>
      %dma_start3A_113 = arith.constant 0 : i32
      %dma_start3A_114 = tpu.memref_slice %arg5[%run_scoped3A_10, %dma_start3A_113] : memref<4x40xi32, #tpu.memory_space<vmem>> -> memref<1x40xi32, #tpu.memory_space<vmem>>
      %dma_start3A_115 = tpu.memref_squeeze %dma_start3A_114 : memref<1x40xi32, #tpu.memory_space<vmem>> -> memref<40xi32, #tpu.memory_space<vmem>>
      %dma_start3A_116 = tpu.memref_slice %arg3[%add3A_9] : memref<5120xi32, #tpu.memory_space<hbm>> -> memref<40xi32, #tpu.memory_space<hbm>>
      tpu.enqueue_dma source(%dma_start3A_116 : memref<40xi32, #tpu.memory_space<hbm>>) target(%dma_start3A_115 : memref<40xi32, #tpu.memory_space<vmem>>) target_semaphore(%run_scoped3A_108 : memref<!tpu.dma_semaphore, #tpu.memory_space<semaphore_mem>>)
      %dma_wait3A_117 = arith.constant 0 : i32
      %dma_wait3A_118 = tpu.memref_slice %arg5[%run_scoped3A_10, %dma_wait3A_117] : memref<4x40xi32, #tpu.memory_space<vmem>> -> memref<1x40xi32, #tpu.memory_space<vmem>>
      %dma_wait3A_119 = tpu.memref_squeeze %dma_wait3A_118 : memref<1x40xi32, #tpu.memory_space<vmem>> -> memref<40xi32, #tpu.memory_space<vmem>>
      %dma_wait3A_120 = tpu.memref_slice %arg3[%add3A_9] : memref<5120xi32, #tpu.memory_space<hbm>> -> memref<40xi32, #tpu.memory_space<hbm>>
      %dma_wait3A_121 = arith.constant 0 : i32
      %dma_wait3A_122 = tpu.memref_slice %arg5[%run_scoped3A_10, %dma_wait3A_121] : memref<4x40xi32, #tpu.memory_space<vmem>> -> memref<1x40xi32, #tpu.memory_space<vmem>>
      %dma_wait3A_123 = tpu.memref_squeeze %dma_wait3A_122 : memref<1x40xi32, #tpu.memory_space<vmem>> -> memref<40xi32, #tpu.memory_space<vmem>>
      %dma_wait3A_124 = tpu.memref_slice %arg3[%add3A_9] : memref<5120xi32, #tpu.memory_space<hbm>> -> memref<40xi32, #tpu.memory_space<hbm>>
      tpu.wait_dma2 semaphore(%run_scoped3A_108 : memref<!tpu.dma_semaphore, #tpu.memory_space<semaphore_mem>>) src(%dma_wait3A_124 : memref<40xi32, #tpu.memory_space<hbm>>) dst(%dma_wait3A_123 : memref<40xi32, #tpu.memory_space<vmem>>)
      tpu.yield
    }) : () -> ()
    %add3A_11 = arith.constant 120 : i32
    %add3A_12 = arith.addi %mul3A_2, %add3A_11 : i32
    %run_scoped3A_13 = arith.constant 3 : i32
    "tpu.region"() ({
      %run_scoped3A_108 = tpu.sem_alloc : memref<!tpu.dma_semaphore, #tpu.memory_space<semaphore_mem>>
      %dma_start3A_109 = arith.constant 0 : i32
      %dma_start3A_110 = tpu.memref_slice %arg5[%run_scoped3A_13, %dma_start3A_109] : memref<4x40xi32, #tpu.memory_space<vmem>> -> memref<1x40xi32, #tpu.memory_space<vmem>>
      %dma_start3A_111 = tpu.memref_squeeze %dma_start3A_110 : memref<1x40xi32, #tpu.memory_space<vmem>> -> memref<40xi32, #tpu.memory_space<vmem>>
      %dma_start3A_112 = tpu.memref_slice %arg3[%add3A_12] : memref<5120xi32, #tpu.memory_space<hbm>> -> memref<40xi32, #tpu.memory_space<hbm>>
      %dma_start3A_113 = arith.constant 0 : i32
      %dma_start3A_114 = tpu.memref_slice %arg5[%run_scoped3A_13, %dma_start3A_113] : memref<4x40xi32, #tpu.memory_space<vmem>> -> memref<1x40xi32, #tpu.memory_space<vmem>>
      %dma_start3A_115 = tpu.memref_squeeze %dma_start3A_114 : memref<1x40xi32, #tpu.memory_space<vmem>> -> memref<40xi32, #tpu.memory_space<vmem>>
      %dma_start3A_116 = tpu.memref_slice %arg3[%add3A_12] : memref<5120xi32, #tpu.memory_space<hbm>> -> memref<40xi32, #tpu.memory_space<hbm>>
      tpu.enqueue_dma source(%dma_start3A_116 : memref<40xi32, #tpu.memory_space<hbm>>) target(%dma_start3A_115 : memref<40xi32, #tpu.memory_space<vmem>>) target_semaphore(%run_scoped3A_108 : memref<!tpu.dma_semaphore, #tpu.memory_space<semaphore_mem>>)
      %dma_wait3A_117 = arith.constant 0 : i32
      %dma_wait3A_118 = tpu.memref_slice %arg5[%run_scoped3A_13, %dma_wait3A_117] : memref<4x40xi32, #tpu.memory_space<vmem>> -> memref<1x40xi32, #tpu.memory_space<vmem>>
      %dma_wait3A_119 = tpu.memref_squeeze %dma_wait3A_118 : memref<1x40xi32, #tpu.memory_space<vmem>> -> memref<40xi32, #tpu.memory_space<vmem>>
      %dma_wait3A_120 = tpu.memref_slice %arg3[%add3A_12] : memref<5120xi32, #tpu.memory_space<hbm>> -> memref<40xi32, #tpu.memory_space<hbm>>
      %dma_wait3A_121 = arith.constant 0 : i32
      %dma_wait3A_122 = tpu.memref_slice %arg5[%run_scoped3A_13, %dma_wait3A_121] : memref<4x40xi32, #tpu.memory_space<vmem>> -> memref<1x40xi32, #tpu.memory_space<vmem>>
      %dma_wait3A_123 = tpu.memref_squeeze %dma_wait3A_122 : memref<1x40xi32, #tpu.memory_space<vmem>> -> memref<40xi32, #tpu.memory_space<vmem>>
      %dma_wait3A_124 = tpu.memref_slice %arg3[%add3A_12] : memref<5120xi32, #tpu.memory_space<hbm>> -> memref<40xi32, #tpu.memory_space<hbm>>
      tpu.wait_dma2 semaphore(%run_scoped3A_108 : memref<!tpu.dma_semaphore, #tpu.memory_space<semaphore_mem>>) src(%dma_wait3A_124 : memref<40xi32, #tpu.memory_space<hbm>>) dst(%dma_wait3A_123 : memref<40xi32, #tpu.memory_space<vmem>>)
      tpu.yield
    }) : () -> ()
    %dma_start3A = arith.constant 0 : i32
    %dma_start3A_14 = arith.constant 0 : i32
    %dma_start3A_15 = tpu.memref_slice %arg5[%dma_start3A, %dma_start3A_14] : memref<4x40xi32, #tpu.memory_space<vmem>> -> memref<1x40xi32, #tpu.memory_space<vmem>>
    %dma_start3A_16 = tpu.memref_squeeze %dma_start3A_15 : memref<1x40xi32, #tpu.memory_space<vmem>> -> memref<40xi32, #tpu.memory_space<vmem>>
    %dma_start3A_17 = arith.constant 0 : i32
    %dma_start3A_18 = arith.constant 0 : i32
    %dma_start3A_19 = tpu.memref_slice %arg2[%dma_start3A_17, %dma_start3A_18] : memref<2048x384xf32, #tpu.memory_space<hbm>> -> memref<2048x384xf32, #tpu.memory_space<hbm>>
    tpu.enqueue_indirect_dma source(%dma_start3A_19 : memref<2048x384xf32, #tpu.memory_space<hbm>>) target(%arg6 : memref<40x384xf32, #tpu.memory_space<vmem>>) offsets(%dma_start3A_16 : memref<40xi32, #tpu.memory_space<vmem>>) semaphore(%arg10 : memref<!tpu.dma_semaphore, #tpu.memory_space<semaphore_mem>>)
    %dma_start3A_20 = arith.constant 1 : i32
    %dma_start3A_21 = arith.constant 0 : i32
    %dma_start3A_22 = tpu.memref_slice %arg5[%dma_start3A_20, %dma_start3A_21] : memref<4x40xi32, #tpu.memory_space<vmem>> -> memref<1x40xi32, #tpu.memory_space<vmem>>
    %dma_start3A_23 = tpu.memref_squeeze %dma_start3A_22 : memref<1x40xi32, #tpu.memory_space<vmem>> -> memref<40xi32, #tpu.memory_space<vmem>>
    %dma_start3A_24 = arith.constant 0 : i32
    %dma_start3A_25 = arith.constant 0 : i32
    %dma_start3A_26 = tpu.memref_slice %arg2[%dma_start3A_24, %dma_start3A_25] : memref<2048x384xf32, #tpu.memory_space<hbm>> -> memref<2048x384xf32, #tpu.memory_space<hbm>>
    tpu.enqueue_indirect_dma source(%dma_start3A_26 : memref<2048x384xf32, #tpu.memory_space<hbm>>) target(%arg7 : memref<40x384xf32, #tpu.memory_space<vmem>>) offsets(%dma_start3A_23 : memref<40xi32, #tpu.memory_space<vmem>>) semaphore(%arg11 : memref<!tpu.dma_semaphore, #tpu.memory_space<semaphore_mem>>)
    %dma_start3A_27 = arith.constant 2 : i32
    %dma_start3A_28 = arith.constant 0 : i32
    %dma_start3A_29 = tpu.memref_slice %arg5[%dma_start3A_27, %dma_start3A_28] : memref<4x40xi32, #tpu.memory_space<vmem>> -> memref<1x40xi32, #tpu.memory_space<vmem>>
    %dma_start3A_30 = tpu.memref_squeeze %dma_start3A_29 : memref<1x40xi32, #tpu.memory_space<vmem>> -> memref<40xi32, #tpu.memory_space<vmem>>
    %dma_start3A_31 = arith.constant 0 : i32
    %dma_start3A_32 = arith.constant 0 : i32
    %dma_start3A_33 = tpu.memref_slice %arg2[%dma_start3A_31, %dma_start3A_32] : memref<2048x384xf32, #tpu.memory_space<hbm>> -> memref<2048x384xf32, #tpu.memory_space<hbm>>
    tpu.enqueue_indirect_dma source(%dma_start3A_33 : memref<2048x384xf32, #tpu.memory_space<hbm>>) target(%arg8 : memref<40x384xf32, #tpu.memory_space<vmem>>) offsets(%dma_start3A_30 : memref<40xi32, #tpu.memory_space<vmem>>) semaphore(%arg12 : memref<!tpu.dma_semaphore, #tpu.memory_space<semaphore_mem>>)
    %dma_start3A_34 = arith.constant 3 : i32
    %dma_start3A_35 = arith.constant 0 : i32
    %dma_start3A_36 = tpu.memref_slice %arg5[%dma_start3A_34, %dma_start3A_35] : memref<4x40xi32, #tpu.memory_space<vmem>> -> memref<1x40xi32, #tpu.memory_space<vmem>>
    %dma_start3A_37 = tpu.memref_squeeze %dma_start3A_36 : memref<1x40xi32, #tpu.memory_space<vmem>> -> memref<40xi32, #tpu.memory_space<vmem>>
    %dma_start3A_38 = arith.constant 0 : i32
    %dma_start3A_39 = arith.constant 0 : i32
    %dma_start3A_40 = tpu.memref_slice %arg2[%dma_start3A_38, %dma_start3A_39] : memref<2048x384xf32, #tpu.memory_space<hbm>> -> memref<2048x384xf32, #tpu.memory_space<hbm>>
    tpu.enqueue_indirect_dma source(%dma_start3A_40 : memref<2048x384xf32, #tpu.memory_space<hbm>>) target(%arg9 : memref<40x384xf32, #tpu.memory_space<vmem>>) offsets(%dma_start3A_37 : memref<40xi32, #tpu.memory_space<vmem>>) semaphore(%arg13 : memref<!tpu.dma_semaphore, #tpu.memory_space<semaphore_mem>>)
    %dma_wait3A = arith.constant 0 : i32
    %dma_wait3A_41 = arith.constant 0 : i32
    %dma_wait3A_42 = tpu.memref_slice %arg5[%dma_wait3A, %dma_wait3A_41] : memref<4x40xi32, #tpu.memory_space<vmem>> -> memref<1x40xi32, #tpu.memory_space<vmem>>
    %dma_wait3A_43 = tpu.memref_squeeze %dma_wait3A_42 : memref<1x40xi32, #tpu.memory_space<vmem>> -> memref<40xi32, #tpu.memory_space<vmem>>
    %dma_wait3A_44 = arith.constant 0 : i32
    %dma_wait3A_45 = arith.constant 0 : i32
    %dma_wait3A_46 = tpu.memref_slice %arg2[%dma_wait3A_44, %dma_wait3A_45] : memref<2048x384xf32, #tpu.memory_space<hbm>> -> memref<2048x384xf32, #tpu.memory_space<hbm>>
    tpu.wait_indirect_dma semaphore(%arg10 : memref<!tpu.dma_semaphore, #tpu.memory_space<semaphore_mem>>) src(%dma_wait3A_46 : memref<2048x384xf32, #tpu.memory_space<hbm>>) dst(%arg6 : memref<40x384xf32, #tpu.memory_space<vmem>>)
    %add3A_47 = arith.constant 0 : i32
    %add3A_48 = arith.addi %mul3A_2, %add3A_47 : i32
    %dma_start3A_49 = arith.constant 0 : i32
    %dma_start3A_50 = tpu.memref_slice %arg4[%add3A_48, %dma_start3A_49] : memref<5120x384xf32, #tpu.memory_space<hbm>> -> memref<40x384xf32, #tpu.memory_space<hbm>>
    %dma_start3A_51 = arith.constant 0 : i32
    %dma_start3A_52 = tpu.memref_slice %arg4[%add3A_48, %dma_start3A_51] : memref<5120x384xf32, #tpu.memory_space<hbm>> -> memref<40x384xf32, #tpu.memory_space<hbm>>
    tpu.enqueue_dma source(%arg6 : memref<40x384xf32, #tpu.memory_space<vmem>>) target(%dma_start3A_52 : memref<40x384xf32, #tpu.memory_space<hbm>>) target_semaphore(%arg14 : memref<!tpu.dma_semaphore, #tpu.memory_space<semaphore_mem>>)
    %dma_wait3A_53 = arith.constant 1 : i32
    %dma_wait3A_54 = arith.constant 0 : i32
    %dma_wait3A_55 = tpu.memref_slice %arg5[%dma_wait3A_53, %dma_wait3A_54] : memref<4x40xi32, #tpu.memory_space<vmem>> -> memref<1x40xi32, #tpu.memory_space<vmem>>
    %dma_wait3A_56 = tpu.memref_squeeze %dma_wait3A_55 : memref<1x40xi32, #tpu.memory_space<vmem>> -> memref<40xi32, #tpu.memory_space<vmem>>
    %dma_wait3A_57 = arith.constant 0 : i32
    %dma_wait3A_58 = arith.constant 0 : i32
    %dma_wait3A_59 = tpu.memref_slice %arg2[%dma_wait3A_57, %dma_wait3A_58] : memref<2048x384xf32, #tpu.memory_space<hbm>> -> memref<2048x384xf32, #tpu.memory_space<hbm>>
    tpu.wait_indirect_dma semaphore(%arg11 : memref<!tpu.dma_semaphore, #tpu.memory_space<semaphore_mem>>) src(%dma_wait3A_59 : memref<2048x384xf32, #tpu.memory_space<hbm>>) dst(%arg7 : memref<40x384xf32, #tpu.memory_space<vmem>>)
    %add3A_60 = arith.constant 40 : i32
    %add3A_61 = arith.addi %mul3A_2, %add3A_60 : i32
    %dma_start3A_62 = arith.constant 0 : i32
    %dma_start3A_63 = tpu.memref_slice %arg4[%add3A_61, %dma_start3A_62] : memref<5120x384xf32, #tpu.memory_space<hbm>> -> memref<40x384xf32, #tpu.memory_space<hbm>>
    %dma_start3A_64 = arith.constant 0 : i32
    %dma_start3A_65 = tpu.memref_slice %arg4[%add3A_61, %dma_start3A_64] : memref<5120x384xf32, #tpu.memory_space<hbm>> -> memref<40x384xf32, #tpu.memory_space<hbm>>
    tpu.enqueue_dma source(%arg7 : memref<40x384xf32, #tpu.memory_space<vmem>>) target(%dma_start3A_65 : memref<40x384xf32, #tpu.memory_space<hbm>>) target_semaphore(%arg15 : memref<!tpu.dma_semaphore, #tpu.memory_space<semaphore_mem>>)
    %dma_wait3A_66 = arith.constant 2 : i32
    %dma_wait3A_67 = arith.constant 0 : i32
    %dma_wait3A_68 = tpu.memref_slice %arg5[%dma_wait3A_66, %dma_wait3A_67] : memref<4x40xi32, #tpu.memory_space<vmem>> -> memref<1x40xi32, #tpu.memory_space<vmem>>
    %dma_wait3A_69 = tpu.memref_squeeze %dma_wait3A_68 : memref<1x40xi32, #tpu.memory_space<vmem>> -> memref<40xi32, #tpu.memory_space<vmem>>
    %dma_wait3A_70 = arith.constant 0 : i32
    %dma_wait3A_71 = arith.constant 0 : i32
    %dma_wait3A_72 = tpu.memref_slice %arg2[%dma_wait3A_70, %dma_wait3A_71] : memref<2048x384xf32, #tpu.memory_space<hbm>> -> memref<2048x384xf32, #tpu.memory_space<hbm>>
    tpu.wait_indirect_dma semaphore(%arg12 : memref<!tpu.dma_semaphore, #tpu.memory_space<semaphore_mem>>) src(%dma_wait3A_72 : memref<2048x384xf32, #tpu.memory_space<hbm>>) dst(%arg8 : memref<40x384xf32, #tpu.memory_space<vmem>>)
    %add3A_73 = arith.constant 80 : i32
    %add3A_74 = arith.addi %mul3A_2, %add3A_73 : i32
    %dma_start3A_75 = arith.constant 0 : i32
    %dma_start3A_76 = tpu.memref_slice %arg4[%add3A_74, %dma_start3A_75] : memref<5120x384xf32, #tpu.memory_space<hbm>> -> memref<40x384xf32, #tpu.memory_space<hbm>>
    %dma_start3A_77 = arith.constant 0 : i32
    %dma_start3A_78 = tpu.memref_slice %arg4[%add3A_74, %dma_start3A_77] : memref<5120x384xf32, #tpu.memory_space<hbm>> -> memref<40x384xf32, #tpu.memory_space<hbm>>
    tpu.enqueue_dma source(%arg8 : memref<40x384xf32, #tpu.memory_space<vmem>>) target(%dma_start3A_78 : memref<40x384xf32, #tpu.memory_space<hbm>>) target_semaphore(%arg16 : memref<!tpu.dma_semaphore, #tpu.memory_space<semaphore_mem>>)
    %dma_wait3A_79 = arith.constant 3 : i32
    %dma_wait3A_80 = arith.constant 0 : i32
    %dma_wait3A_81 = tpu.memref_slice %arg5[%dma_wait3A_79, %dma_wait3A_80] : memref<4x40xi32, #tpu.memory_space<vmem>> -> memref<1x40xi32, #tpu.memory_space<vmem>>
    %dma_wait3A_82 = tpu.memref_squeeze %dma_wait3A_81 : memref<1x40xi32, #tpu.memory_space<vmem>> -> memref<40xi32, #tpu.memory_space<vmem>>
    %dma_wait3A_83 = arith.constant 0 : i32
    %dma_wait3A_84 = arith.constant 0 : i32
    %dma_wait3A_85 = tpu.memref_slice %arg2[%dma_wait3A_83, %dma_wait3A_84] : memref<2048x384xf32, #tpu.memory_space<hbm>> -> memref<2048x384xf32, #tpu.memory_space<hbm>>
    tpu.wait_indirect_dma semaphore(%arg13 : memref<!tpu.dma_semaphore, #tpu.memory_space<semaphore_mem>>) src(%dma_wait3A_85 : memref<2048x384xf32, #tpu.memory_space<hbm>>) dst(%arg9 : memref<40x384xf32, #tpu.memory_space<vmem>>)
    %add3A_86 = arith.constant 120 : i32
    %add3A_87 = arith.addi %mul3A_2, %add3A_86 : i32
    %dma_start3A_88 = arith.constant 0 : i32
    %dma_start3A_89 = tpu.memref_slice %arg4[%add3A_87, %dma_start3A_88] : memref<5120x384xf32, #tpu.memory_space<hbm>> -> memref<40x384xf32, #tpu.memory_space<hbm>>
    %dma_start3A_90 = arith.constant 0 : i32
    %dma_start3A_91 = tpu.memref_slice %arg4[%add3A_87, %dma_start3A_90] : memref<5120x384xf32, #tpu.memory_space<hbm>> -> memref<40x384xf32, #tpu.memory_space<hbm>>
    tpu.enqueue_dma source(%arg9 : memref<40x384xf32, #tpu.memory_space<vmem>>) target(%dma_start3A_91 : memref<40x384xf32, #tpu.memory_space<hbm>>) target_semaphore(%arg17 : memref<!tpu.dma_semaphore, #tpu.memory_space<semaphore_mem>>)
    %dma_wait3A_92 = arith.constant 0 : i32
    %dma_wait3A_93 = tpu.memref_slice %arg4[%add3A_48, %dma_wait3A_92] : memref<5120x384xf32, #tpu.memory_space<hbm>> -> memref<40x384xf32, #tpu.memory_space<hbm>>
    %dma_wait3A_94 = arith.constant 0 : i32
    %dma_wait3A_95 = tpu.memref_slice %arg4[%add3A_48, %dma_wait3A_94] : memref<5120x384xf32, #tpu.memory_space<hbm>> -> memref<40x384xf32, #tpu.memory_space<hbm>>
    tpu.wait_dma2 semaphore(%arg14 : memref<!tpu.dma_semaphore, #tpu.memory_space<semaphore_mem>>) src(%arg6 : memref<40x384xf32, #tpu.memory_space<vmem>>) dst(%dma_wait3A_95 : memref<40x384xf32, #tpu.memory_space<hbm>>)
    %dma_wait3A_96 = arith.constant 0 : i32
    %dma_wait3A_97 = tpu.memref_slice %arg4[%add3A_61, %dma_wait3A_96] : memref<5120x384xf32, #tpu.memory_space<hbm>> -> memref<40x384xf32, #tpu.memory_space<hbm>>
    %dma_wait3A_98 = arith.constant 0 : i32
    %dma_wait3A_99 = tpu.memref_slice %arg4[%add3A_61, %dma_wait3A_98] : memref<5120x384xf32, #tpu.memory_space<hbm>> -> memref<40x384xf32, #tpu.memory_space<hbm>>
    tpu.wait_dma2 semaphore(%arg15 : memref<!tpu.dma_semaphore, #tpu.memory_space<semaphore_mem>>) src(%arg7 : memref<40x384xf32, #tpu.memory_space<vmem>>) dst(%dma_wait3A_99 : memref<40x384xf32, #tpu.memory_space<hbm>>)
    %dma_wait3A_100 = arith.constant 0 : i32
    %dma_wait3A_101 = tpu.memref_slice %arg4[%add3A_74, %dma_wait3A_100] : memref<5120x384xf32, #tpu.memory_space<hbm>> -> memref<40x384xf32, #tpu.memory_space<hbm>>
    %dma_wait3A_102 = arith.constant 0 : i32
    %dma_wait3A_103 = tpu.memref_slice %arg4[%add3A_74, %dma_wait3A_102] : memref<5120x384xf32, #tpu.memory_space<hbm>> -> memref<40x384xf32, #tpu.memory_space<hbm>>
    tpu.wait_dma2 semaphore(%arg16 : memref<!tpu.dma_semaphore, #tpu.memory_space<semaphore_mem>>) src(%arg8 : memref<40x384xf32, #tpu.memory_space<vmem>>) dst(%dma_wait3A_103 : memref<40x384xf32, #tpu.memory_space<hbm>>)
    %dma_wait3A_104 = arith.constant 0 : i32
    %dma_wait3A_105 = tpu.memref_slice %arg4[%add3A_87, %dma_wait3A_104] : memref<5120x384xf32, #tpu.memory_space<hbm>> -> memref<40x384xf32, #tpu.memory_space<hbm>>
    %dma_wait3A_106 = arith.constant 0 : i32
    %dma_wait3A_107 = tpu.memref_slice %arg4[%add3A_87, %dma_wait3A_106] : memref<5120x384xf32, #tpu.memory_space<hbm>> -> memref<40x384xf32, #tpu.memory_space<hbm>>
    tpu.wait_dma2 semaphore(%arg17 : memref<!tpu.dma_semaphore, #tpu.memory_space<semaphore_mem>>) src(%arg9 : memref<40x384xf32, #tpu.memory_space<vmem>>) dst(%dma_wait3A_107 : memref<40x384xf32, #tpu.memory_space<hbm>>)
    return
  }
}

#map = affine_map<(d0, d1) -> (0, 0)>
#map1 = affine_map<(d0, d1) -> (0)>
module attributes {stable_mosaic.version = 14 : i64} {
  func.func @k(%arg0: i32, %arg1: i32, %arg2: memref<5120x384xf32, #tpu.memory_space<hbm>>, %arg3: memref<4096xi32, #tpu.memory_space<hbm>>, %arg4: memref<4096x384xf32, #tpu.memory_space<hbm>>, %arg5: memref<4x32xi32, #tpu.memory_space<vmem>>, %arg6: memref<32x384xf32, #tpu.memory_space<vmem>>, %arg7: memref<32x384xf32, #tpu.memory_space<vmem>>, %arg8: memref<32x384xf32, #tpu.memory_space<vmem>>, %arg9: memref<32x384xf32, #tpu.memory_space<vmem>>, %arg10: memref<!tpu.dma_semaphore, #tpu.memory_space<semaphore_mem>>, %arg11: memref<!tpu.dma_semaphore, #tpu.memory_space<semaphore_mem>>, %arg12: memref<!tpu.dma_semaphore, #tpu.memory_space<semaphore_mem>>, %arg13: memref<!tpu.dma_semaphore, #tpu.memory_space<semaphore_mem>>, %arg14: memref<!tpu.dma_semaphore, #tpu.memory_space<semaphore_mem>>, %arg15: memref<!tpu.dma_semaphore, #tpu.memory_space<semaphore_mem>>, %arg16: memref<!tpu.dma_semaphore, #tpu.memory_space<semaphore_mem>>, %arg17: memref<!tpu.dma_semaphore, #tpu.memory_space<semaphore_mem>>) attributes {dimension_semantics = [#tpu.dimension_semantics<core_parallel>, #tpu.dimension_semantics<subcore_parallel>], iteration_bounds = array<i64: 2, 16>, scalar_prefetch = 0 : i64, scratch_operands = 13 : i64, tpu.core_type = #tpu.core_type<sc_vector_subcore>, window_params = [{transform_indices = #map}, {transform_indices = #map1}, {transform_indices = #map}]} {
    %mul3A = arith.constant 2 : i32
    %mul3A_0 = arith.muli %arg1, %mul3A : i32
    %add3A = arith.addi %mul3A_0, %arg0 : i32
    %mul3A_1 = arith.constant 128 : i32
    %mul3A_2 = arith.muli %add3A, %mul3A_1 : i32
    %add3A_3 = arith.constant 0 : i32
    %add3A_4 = arith.addi %mul3A_2, %add3A_3 : i32
    %run_scoped3A = arith.constant 0 : i32
    "tpu.region"() ({
      %run_scoped3A_108 = tpu.sem_alloc : memref<!tpu.dma_semaphore, #tpu.memory_space<semaphore_mem>>
      %dma_start3A_109 = arith.constant 0 : i32
      %dma_start3A_110 = tpu.memref_slice %arg5[%run_scoped3A, %dma_start3A_109] : memref<4x32xi32, #tpu.memory_space<vmem>> -> memref<1x32xi32, #tpu.memory_space<vmem>>
      %dma_start3A_111 = tpu.memref_squeeze %dma_start3A_110 : memref<1x32xi32, #tpu.memory_space<vmem>> -> memref<32xi32, #tpu.memory_space<vmem>>
      %dma_start3A_112 = tpu.memref_slice %arg3[%add3A_4] : memref<4096xi32, #tpu.memory_space<hbm>> -> memref<32xi32, #tpu.memory_space<hbm>>
      %dma_start3A_113 = arith.constant 0 : i32
      %dma_start3A_114 = tpu.memref_slice %arg5[%run_scoped3A, %dma_start3A_113] : memref<4x32xi32, #tpu.memory_space<vmem>> -> memref<1x32xi32, #tpu.memory_space<vmem>>
      %dma_start3A_115 = tpu.memref_squeeze %dma_start3A_114 : memref<1x32xi32, #tpu.memory_space<vmem>> -> memref<32xi32, #tpu.memory_space<vmem>>
      %dma_start3A_116 = tpu.memref_slice %arg3[%add3A_4] : memref<4096xi32, #tpu.memory_space<hbm>> -> memref<32xi32, #tpu.memory_space<hbm>>
      tpu.enqueue_dma source(%dma_start3A_116 : memref<32xi32, #tpu.memory_space<hbm>>) target(%dma_start3A_115 : memref<32xi32, #tpu.memory_space<vmem>>) target_semaphore(%run_scoped3A_108 : memref<!tpu.dma_semaphore, #tpu.memory_space<semaphore_mem>>)
      %dma_wait3A_117 = arith.constant 0 : i32
      %dma_wait3A_118 = tpu.memref_slice %arg5[%run_scoped3A, %dma_wait3A_117] : memref<4x32xi32, #tpu.memory_space<vmem>> -> memref<1x32xi32, #tpu.memory_space<vmem>>
      %dma_wait3A_119 = tpu.memref_squeeze %dma_wait3A_118 : memref<1x32xi32, #tpu.memory_space<vmem>> -> memref<32xi32, #tpu.memory_space<vmem>>
      %dma_wait3A_120 = tpu.memref_slice %arg3[%add3A_4] : memref<4096xi32, #tpu.memory_space<hbm>> -> memref<32xi32, #tpu.memory_space<hbm>>
      %dma_wait3A_121 = arith.constant 0 : i32
      %dma_wait3A_122 = tpu.memref_slice %arg5[%run_scoped3A, %dma_wait3A_121] : memref<4x32xi32, #tpu.memory_space<vmem>> -> memref<1x32xi32, #tpu.memory_space<vmem>>
      %dma_wait3A_123 = tpu.memref_squeeze %dma_wait3A_122 : memref<1x32xi32, #tpu.memory_space<vmem>> -> memref<32xi32, #tpu.memory_space<vmem>>
      %dma_wait3A_124 = tpu.memref_slice %arg3[%add3A_4] : memref<4096xi32, #tpu.memory_space<hbm>> -> memref<32xi32, #tpu.memory_space<hbm>>
      tpu.wait_dma2 semaphore(%run_scoped3A_108 : memref<!tpu.dma_semaphore, #tpu.memory_space<semaphore_mem>>) src(%dma_wait3A_124 : memref<32xi32, #tpu.memory_space<hbm>>) dst(%dma_wait3A_123 : memref<32xi32, #tpu.memory_space<vmem>>)
      tpu.yield
    }) : () -> ()
    %add3A_5 = arith.constant 32 : i32
    %add3A_6 = arith.addi %mul3A_2, %add3A_5 : i32
    %run_scoped3A_7 = arith.constant 1 : i32
    "tpu.region"() ({
      %run_scoped3A_108 = tpu.sem_alloc : memref<!tpu.dma_semaphore, #tpu.memory_space<semaphore_mem>>
      %dma_start3A_109 = arith.constant 0 : i32
      %dma_start3A_110 = tpu.memref_slice %arg5[%run_scoped3A_7, %dma_start3A_109] : memref<4x32xi32, #tpu.memory_space<vmem>> -> memref<1x32xi32, #tpu.memory_space<vmem>>
      %dma_start3A_111 = tpu.memref_squeeze %dma_start3A_110 : memref<1x32xi32, #tpu.memory_space<vmem>> -> memref<32xi32, #tpu.memory_space<vmem>>
      %dma_start3A_112 = tpu.memref_slice %arg3[%add3A_6] : memref<4096xi32, #tpu.memory_space<hbm>> -> memref<32xi32, #tpu.memory_space<hbm>>
      %dma_start3A_113 = arith.constant 0 : i32
      %dma_start3A_114 = tpu.memref_slice %arg5[%run_scoped3A_7, %dma_start3A_113] : memref<4x32xi32, #tpu.memory_space<vmem>> -> memref<1x32xi32, #tpu.memory_space<vmem>>
      %dma_start3A_115 = tpu.memref_squeeze %dma_start3A_114 : memref<1x32xi32, #tpu.memory_space<vmem>> -> memref<32xi32, #tpu.memory_space<vmem>>
      %dma_start3A_116 = tpu.memref_slice %arg3[%add3A_6] : memref<4096xi32, #tpu.memory_space<hbm>> -> memref<32xi32, #tpu.memory_space<hbm>>
      tpu.enqueue_dma source(%dma_start3A_116 : memref<32xi32, #tpu.memory_space<hbm>>) target(%dma_start3A_115 : memref<32xi32, #tpu.memory_space<vmem>>) target_semaphore(%run_scoped3A_108 : memref<!tpu.dma_semaphore, #tpu.memory_space<semaphore_mem>>)
      %dma_wait3A_117 = arith.constant 0 : i32
      %dma_wait3A_118 = tpu.memref_slice %arg5[%run_scoped3A_7, %dma_wait3A_117] : memref<4x32xi32, #tpu.memory_space<vmem>> -> memref<1x32xi32, #tpu.memory_space<vmem>>
      %dma_wait3A_119 = tpu.memref_squeeze %dma_wait3A_118 : memref<1x32xi32, #tpu.memory_space<vmem>> -> memref<32xi32, #tpu.memory_space<vmem>>
      %dma_wait3A_120 = tpu.memref_slice %arg3[%add3A_6] : memref<4096xi32, #tpu.memory_space<hbm>> -> memref<32xi32, #tpu.memory_space<hbm>>
      %dma_wait3A_121 = arith.constant 0 : i32
      %dma_wait3A_122 = tpu.memref_slice %arg5[%run_scoped3A_7, %dma_wait3A_121] : memref<4x32xi32, #tpu.memory_space<vmem>> -> memref<1x32xi32, #tpu.memory_space<vmem>>
      %dma_wait3A_123 = tpu.memref_squeeze %dma_wait3A_122 : memref<1x32xi32, #tpu.memory_space<vmem>> -> memref<32xi32, #tpu.memory_space<vmem>>
      %dma_wait3A_124 = tpu.memref_slice %arg3[%add3A_6] : memref<4096xi32, #tpu.memory_space<hbm>> -> memref<32xi32, #tpu.memory_space<hbm>>
      tpu.wait_dma2 semaphore(%run_scoped3A_108 : memref<!tpu.dma_semaphore, #tpu.memory_space<semaphore_mem>>) src(%dma_wait3A_124 : memref<32xi32, #tpu.memory_space<hbm>>) dst(%dma_wait3A_123 : memref<32xi32, #tpu.memory_space<vmem>>)
      tpu.yield
    }) : () -> ()
    %add3A_8 = arith.constant 64 : i32
    %add3A_9 = arith.addi %mul3A_2, %add3A_8 : i32
    %run_scoped3A_10 = arith.constant 2 : i32
    "tpu.region"() ({
      %run_scoped3A_108 = tpu.sem_alloc : memref<!tpu.dma_semaphore, #tpu.memory_space<semaphore_mem>>
      %dma_start3A_109 = arith.constant 0 : i32
      %dma_start3A_110 = tpu.memref_slice %arg5[%run_scoped3A_10, %dma_start3A_109] : memref<4x32xi32, #tpu.memory_space<vmem>> -> memref<1x32xi32, #tpu.memory_space<vmem>>
      %dma_start3A_111 = tpu.memref_squeeze %dma_start3A_110 : memref<1x32xi32, #tpu.memory_space<vmem>> -> memref<32xi32, #tpu.memory_space<vmem>>
      %dma_start3A_112 = tpu.memref_slice %arg3[%add3A_9] : memref<4096xi32, #tpu.memory_space<hbm>> -> memref<32xi32, #tpu.memory_space<hbm>>
      %dma_start3A_113 = arith.constant 0 : i32
      %dma_start3A_114 = tpu.memref_slice %arg5[%run_scoped3A_10, %dma_start3A_113] : memref<4x32xi32, #tpu.memory_space<vmem>> -> memref<1x32xi32, #tpu.memory_space<vmem>>
      %dma_start3A_115 = tpu.memref_squeeze %dma_start3A_114 : memref<1x32xi32, #tpu.memory_space<vmem>> -> memref<32xi32, #tpu.memory_space<vmem>>
      %dma_start3A_116 = tpu.memref_slice %arg3[%add3A_9] : memref<4096xi32, #tpu.memory_space<hbm>> -> memref<32xi32, #tpu.memory_space<hbm>>
      tpu.enqueue_dma source(%dma_start3A_116 : memref<32xi32, #tpu.memory_space<hbm>>) target(%dma_start3A_115 : memref<32xi32, #tpu.memory_space<vmem>>) target_semaphore(%run_scoped3A_108 : memref<!tpu.dma_semaphore, #tpu.memory_space<semaphore_mem>>)
      %dma_wait3A_117 = arith.constant 0 : i32
      %dma_wait3A_118 = tpu.memref_slice %arg5[%run_scoped3A_10, %dma_wait3A_117] : memref<4x32xi32, #tpu.memory_space<vmem>> -> memref<1x32xi32, #tpu.memory_space<vmem>>
      %dma_wait3A_119 = tpu.memref_squeeze %dma_wait3A_118 : memref<1x32xi32, #tpu.memory_space<vmem>> -> memref<32xi32, #tpu.memory_space<vmem>>
      %dma_wait3A_120 = tpu.memref_slice %arg3[%add3A_9] : memref<4096xi32, #tpu.memory_space<hbm>> -> memref<32xi32, #tpu.memory_space<hbm>>
      %dma_wait3A_121 = arith.constant 0 : i32
      %dma_wait3A_122 = tpu.memref_slice %arg5[%run_scoped3A_10, %dma_wait3A_121] : memref<4x32xi32, #tpu.memory_space<vmem>> -> memref<1x32xi32, #tpu.memory_space<vmem>>
      %dma_wait3A_123 = tpu.memref_squeeze %dma_wait3A_122 : memref<1x32xi32, #tpu.memory_space<vmem>> -> memref<32xi32, #tpu.memory_space<vmem>>
      %dma_wait3A_124 = tpu.memref_slice %arg3[%add3A_9] : memref<4096xi32, #tpu.memory_space<hbm>> -> memref<32xi32, #tpu.memory_space<hbm>>
      tpu.wait_dma2 semaphore(%run_scoped3A_108 : memref<!tpu.dma_semaphore, #tpu.memory_space<semaphore_mem>>) src(%dma_wait3A_124 : memref<32xi32, #tpu.memory_space<hbm>>) dst(%dma_wait3A_123 : memref<32xi32, #tpu.memory_space<vmem>>)
      tpu.yield
    }) : () -> ()
    %add3A_11 = arith.constant 96 : i32
    %add3A_12 = arith.addi %mul3A_2, %add3A_11 : i32
    %run_scoped3A_13 = arith.constant 3 : i32
    "tpu.region"() ({
      %run_scoped3A_108 = tpu.sem_alloc : memref<!tpu.dma_semaphore, #tpu.memory_space<semaphore_mem>>
      %dma_start3A_109 = arith.constant 0 : i32
      %dma_start3A_110 = tpu.memref_slice %arg5[%run_scoped3A_13, %dma_start3A_109] : memref<4x32xi32, #tpu.memory_space<vmem>> -> memref<1x32xi32, #tpu.memory_space<vmem>>
      %dma_start3A_111 = tpu.memref_squeeze %dma_start3A_110 : memref<1x32xi32, #tpu.memory_space<vmem>> -> memref<32xi32, #tpu.memory_space<vmem>>
      %dma_start3A_112 = tpu.memref_slice %arg3[%add3A_12] : memref<4096xi32, #tpu.memory_space<hbm>> -> memref<32xi32, #tpu.memory_space<hbm>>
      %dma_start3A_113 = arith.constant 0 : i32
      %dma_start3A_114 = tpu.memref_slice %arg5[%run_scoped3A_13, %dma_start3A_113] : memref<4x32xi32, #tpu.memory_space<vmem>> -> memref<1x32xi32, #tpu.memory_space<vmem>>
      %dma_start3A_115 = tpu.memref_squeeze %dma_start3A_114 : memref<1x32xi32, #tpu.memory_space<vmem>> -> memref<32xi32, #tpu.memory_space<vmem>>
      %dma_start3A_116 = tpu.memref_slice %arg3[%add3A_12] : memref<4096xi32, #tpu.memory_space<hbm>> -> memref<32xi32, #tpu.memory_space<hbm>>
      tpu.enqueue_dma source(%dma_start3A_116 : memref<32xi32, #tpu.memory_space<hbm>>) target(%dma_start3A_115 : memref<32xi32, #tpu.memory_space<vmem>>) target_semaphore(%run_scoped3A_108 : memref<!tpu.dma_semaphore, #tpu.memory_space<semaphore_mem>>)
      %dma_wait3A_117 = arith.constant 0 : i32
      %dma_wait3A_118 = tpu.memref_slice %arg5[%run_scoped3A_13, %dma_wait3A_117] : memref<4x32xi32, #tpu.memory_space<vmem>> -> memref<1x32xi32, #tpu.memory_space<vmem>>
      %dma_wait3A_119 = tpu.memref_squeeze %dma_wait3A_118 : memref<1x32xi32, #tpu.memory_space<vmem>> -> memref<32xi32, #tpu.memory_space<vmem>>
      %dma_wait3A_120 = tpu.memref_slice %arg3[%add3A_12] : memref<4096xi32, #tpu.memory_space<hbm>> -> memref<32xi32, #tpu.memory_space<hbm>>
      %dma_wait3A_121 = arith.constant 0 : i32
      %dma_wait3A_122 = tpu.memref_slice %arg5[%run_scoped3A_13, %dma_wait3A_121] : memref<4x32xi32, #tpu.memory_space<vmem>> -> memref<1x32xi32, #tpu.memory_space<vmem>>
      %dma_wait3A_123 = tpu.memref_squeeze %dma_wait3A_122 : memref<1x32xi32, #tpu.memory_space<vmem>> -> memref<32xi32, #tpu.memory_space<vmem>>
      %dma_wait3A_124 = tpu.memref_slice %arg3[%add3A_12] : memref<4096xi32, #tpu.memory_space<hbm>> -> memref<32xi32, #tpu.memory_space<hbm>>
      tpu.wait_dma2 semaphore(%run_scoped3A_108 : memref<!tpu.dma_semaphore, #tpu.memory_space<semaphore_mem>>) src(%dma_wait3A_124 : memref<32xi32, #tpu.memory_space<hbm>>) dst(%dma_wait3A_123 : memref<32xi32, #tpu.memory_space<vmem>>)
      tpu.yield
    }) : () -> ()
    %dma_start3A = arith.constant 0 : i32
    %dma_start3A_14 = arith.constant 0 : i32
    %dma_start3A_15 = tpu.memref_slice %arg5[%dma_start3A, %dma_start3A_14] : memref<4x32xi32, #tpu.memory_space<vmem>> -> memref<1x32xi32, #tpu.memory_space<vmem>>
    %dma_start3A_16 = tpu.memref_squeeze %dma_start3A_15 : memref<1x32xi32, #tpu.memory_space<vmem>> -> memref<32xi32, #tpu.memory_space<vmem>>
    %dma_start3A_17 = arith.constant 0 : i32
    %dma_start3A_18 = arith.constant 0 : i32
    %dma_start3A_19 = tpu.memref_slice %arg2[%dma_start3A_17, %dma_start3A_18] : memref<5120x384xf32, #tpu.memory_space<hbm>> -> memref<5120x384xf32, #tpu.memory_space<hbm>>
    tpu.enqueue_indirect_dma source(%dma_start3A_19 : memref<5120x384xf32, #tpu.memory_space<hbm>>) target(%arg6 : memref<32x384xf32, #tpu.memory_space<vmem>>) offsets(%dma_start3A_16 : memref<32xi32, #tpu.memory_space<vmem>>) semaphore(%arg10 : memref<!tpu.dma_semaphore, #tpu.memory_space<semaphore_mem>>)
    %dma_start3A_20 = arith.constant 1 : i32
    %dma_start3A_21 = arith.constant 0 : i32
    %dma_start3A_22 = tpu.memref_slice %arg5[%dma_start3A_20, %dma_start3A_21] : memref<4x32xi32, #tpu.memory_space<vmem>> -> memref<1x32xi32, #tpu.memory_space<vmem>>
    %dma_start3A_23 = tpu.memref_squeeze %dma_start3A_22 : memref<1x32xi32, #tpu.memory_space<vmem>> -> memref<32xi32, #tpu.memory_space<vmem>>
    %dma_start3A_24 = arith.constant 0 : i32
    %dma_start3A_25 = arith.constant 0 : i32
    %dma_start3A_26 = tpu.memref_slice %arg2[%dma_start3A_24, %dma_start3A_25] : memref<5120x384xf32, #tpu.memory_space<hbm>> -> memref<5120x384xf32, #tpu.memory_space<hbm>>
    tpu.enqueue_indirect_dma source(%dma_start3A_26 : memref<5120x384xf32, #tpu.memory_space<hbm>>) target(%arg7 : memref<32x384xf32, #tpu.memory_space<vmem>>) offsets(%dma_start3A_23 : memref<32xi32, #tpu.memory_space<vmem>>) semaphore(%arg11 : memref<!tpu.dma_semaphore, #tpu.memory_space<semaphore_mem>>)
    %dma_start3A_27 = arith.constant 2 : i32
    %dma_start3A_28 = arith.constant 0 : i32
    %dma_start3A_29 = tpu.memref_slice %arg5[%dma_start3A_27, %dma_start3A_28] : memref<4x32xi32, #tpu.memory_space<vmem>> -> memref<1x32xi32, #tpu.memory_space<vmem>>
    %dma_start3A_30 = tpu.memref_squeeze %dma_start3A_29 : memref<1x32xi32, #tpu.memory_space<vmem>> -> memref<32xi32, #tpu.memory_space<vmem>>
    %dma_start3A_31 = arith.constant 0 : i32
    %dma_start3A_32 = arith.constant 0 : i32
    %dma_start3A_33 = tpu.memref_slice %arg2[%dma_start3A_31, %dma_start3A_32] : memref<5120x384xf32, #tpu.memory_space<hbm>> -> memref<5120x384xf32, #tpu.memory_space<hbm>>
    tpu.enqueue_indirect_dma source(%dma_start3A_33 : memref<5120x384xf32, #tpu.memory_space<hbm>>) target(%arg8 : memref<32x384xf32, #tpu.memory_space<vmem>>) offsets(%dma_start3A_30 : memref<32xi32, #tpu.memory_space<vmem>>) semaphore(%arg12 : memref<!tpu.dma_semaphore, #tpu.memory_space<semaphore_mem>>)
    %dma_start3A_34 = arith.constant 3 : i32
    %dma_start3A_35 = arith.constant 0 : i32
    %dma_start3A_36 = tpu.memref_slice %arg5[%dma_start3A_34, %dma_start3A_35] : memref<4x32xi32, #tpu.memory_space<vmem>> -> memref<1x32xi32, #tpu.memory_space<vmem>>
    %dma_start3A_37 = tpu.memref_squeeze %dma_start3A_36 : memref<1x32xi32, #tpu.memory_space<vmem>> -> memref<32xi32, #tpu.memory_space<vmem>>
    %dma_start3A_38 = arith.constant 0 : i32
    %dma_start3A_39 = arith.constant 0 : i32
    %dma_start3A_40 = tpu.memref_slice %arg2[%dma_start3A_38, %dma_start3A_39] : memref<5120x384xf32, #tpu.memory_space<hbm>> -> memref<5120x384xf32, #tpu.memory_space<hbm>>
    tpu.enqueue_indirect_dma source(%dma_start3A_40 : memref<5120x384xf32, #tpu.memory_space<hbm>>) target(%arg9 : memref<32x384xf32, #tpu.memory_space<vmem>>) offsets(%dma_start3A_37 : memref<32xi32, #tpu.memory_space<vmem>>) semaphore(%arg13 : memref<!tpu.dma_semaphore, #tpu.memory_space<semaphore_mem>>)
    %dma_wait3A = arith.constant 0 : i32
    %dma_wait3A_41 = arith.constant 0 : i32
    %dma_wait3A_42 = tpu.memref_slice %arg5[%dma_wait3A, %dma_wait3A_41] : memref<4x32xi32, #tpu.memory_space<vmem>> -> memref<1x32xi32, #tpu.memory_space<vmem>>
    %dma_wait3A_43 = tpu.memref_squeeze %dma_wait3A_42 : memref<1x32xi32, #tpu.memory_space<vmem>> -> memref<32xi32, #tpu.memory_space<vmem>>
    %dma_wait3A_44 = arith.constant 0 : i32
    %dma_wait3A_45 = arith.constant 0 : i32
    %dma_wait3A_46 = tpu.memref_slice %arg2[%dma_wait3A_44, %dma_wait3A_45] : memref<5120x384xf32, #tpu.memory_space<hbm>> -> memref<5120x384xf32, #tpu.memory_space<hbm>>
    tpu.wait_indirect_dma semaphore(%arg10 : memref<!tpu.dma_semaphore, #tpu.memory_space<semaphore_mem>>) src(%dma_wait3A_46 : memref<5120x384xf32, #tpu.memory_space<hbm>>) dst(%arg6 : memref<32x384xf32, #tpu.memory_space<vmem>>)
    %add3A_47 = arith.constant 0 : i32
    %add3A_48 = arith.addi %mul3A_2, %add3A_47 : i32
    %dma_start3A_49 = arith.constant 0 : i32
    %dma_start3A_50 = tpu.memref_slice %arg4[%add3A_48, %dma_start3A_49] : memref<4096x384xf32, #tpu.memory_space<hbm>> -> memref<32x384xf32, #tpu.memory_space<hbm>>
    %dma_start3A_51 = arith.constant 0 : i32
    %dma_start3A_52 = tpu.memref_slice %arg4[%add3A_48, %dma_start3A_51] : memref<4096x384xf32, #tpu.memory_space<hbm>> -> memref<32x384xf32, #tpu.memory_space<hbm>>
    tpu.enqueue_dma source(%arg6 : memref<32x384xf32, #tpu.memory_space<vmem>>) target(%dma_start3A_52 : memref<32x384xf32, #tpu.memory_space<hbm>>) target_semaphore(%arg14 : memref<!tpu.dma_semaphore, #tpu.memory_space<semaphore_mem>>)
    %dma_wait3A_53 = arith.constant 1 : i32
    %dma_wait3A_54 = arith.constant 0 : i32
    %dma_wait3A_55 = tpu.memref_slice %arg5[%dma_wait3A_53, %dma_wait3A_54] : memref<4x32xi32, #tpu.memory_space<vmem>> -> memref<1x32xi32, #tpu.memory_space<vmem>>
    %dma_wait3A_56 = tpu.memref_squeeze %dma_wait3A_55 : memref<1x32xi32, #tpu.memory_space<vmem>> -> memref<32xi32, #tpu.memory_space<vmem>>
    %dma_wait3A_57 = arith.constant 0 : i32
    %dma_wait3A_58 = arith.constant 0 : i32
    %dma_wait3A_59 = tpu.memref_slice %arg2[%dma_wait3A_57, %dma_wait3A_58] : memref<5120x384xf32, #tpu.memory_space<hbm>> -> memref<5120x384xf32, #tpu.memory_space<hbm>>
    tpu.wait_indirect_dma semaphore(%arg11 : memref<!tpu.dma_semaphore, #tpu.memory_space<semaphore_mem>>) src(%dma_wait3A_59 : memref<5120x384xf32, #tpu.memory_space<hbm>>) dst(%arg7 : memref<32x384xf32, #tpu.memory_space<vmem>>)
    %add3A_60 = arith.constant 32 : i32
    %add3A_61 = arith.addi %mul3A_2, %add3A_60 : i32
    %dma_start3A_62 = arith.constant 0 : i32
    %dma_start3A_63 = tpu.memref_slice %arg4[%add3A_61, %dma_start3A_62] : memref<4096x384xf32, #tpu.memory_space<hbm>> -> memref<32x384xf32, #tpu.memory_space<hbm>>
    %dma_start3A_64 = arith.constant 0 : i32
    %dma_start3A_65 = tpu.memref_slice %arg4[%add3A_61, %dma_start3A_64] : memref<4096x384xf32, #tpu.memory_space<hbm>> -> memref<32x384xf32, #tpu.memory_space<hbm>>
    tpu.enqueue_dma source(%arg7 : memref<32x384xf32, #tpu.memory_space<vmem>>) target(%dma_start3A_65 : memref<32x384xf32, #tpu.memory_space<hbm>>) target_semaphore(%arg15 : memref<!tpu.dma_semaphore, #tpu.memory_space<semaphore_mem>>)
    %dma_wait3A_66 = arith.constant 2 : i32
    %dma_wait3A_67 = arith.constant 0 : i32
    %dma_wait3A_68 = tpu.memref_slice %arg5[%dma_wait3A_66, %dma_wait3A_67] : memref<4x32xi32, #tpu.memory_space<vmem>> -> memref<1x32xi32, #tpu.memory_space<vmem>>
    %dma_wait3A_69 = tpu.memref_squeeze %dma_wait3A_68 : memref<1x32xi32, #tpu.memory_space<vmem>> -> memref<32xi32, #tpu.memory_space<vmem>>
    %dma_wait3A_70 = arith.constant 0 : i32
    %dma_wait3A_71 = arith.constant 0 : i32
    %dma_wait3A_72 = tpu.memref_slice %arg2[%dma_wait3A_70, %dma_wait3A_71] : memref<5120x384xf32, #tpu.memory_space<hbm>> -> memref<5120x384xf32, #tpu.memory_space<hbm>>
    tpu.wait_indirect_dma semaphore(%arg12 : memref<!tpu.dma_semaphore, #tpu.memory_space<semaphore_mem>>) src(%dma_wait3A_72 : memref<5120x384xf32, #tpu.memory_space<hbm>>) dst(%arg8 : memref<32x384xf32, #tpu.memory_space<vmem>>)
    %add3A_73 = arith.constant 64 : i32
    %add3A_74 = arith.addi %mul3A_2, %add3A_73 : i32
    %dma_start3A_75 = arith.constant 0 : i32
    %dma_start3A_76 = tpu.memref_slice %arg4[%add3A_74, %dma_start3A_75] : memref<4096x384xf32, #tpu.memory_space<hbm>> -> memref<32x384xf32, #tpu.memory_space<hbm>>
    %dma_start3A_77 = arith.constant 0 : i32
    %dma_start3A_78 = tpu.memref_slice %arg4[%add3A_74, %dma_start3A_77] : memref<4096x384xf32, #tpu.memory_space<hbm>> -> memref<32x384xf32, #tpu.memory_space<hbm>>
    tpu.enqueue_dma source(%arg8 : memref<32x384xf32, #tpu.memory_space<vmem>>) target(%dma_start3A_78 : memref<32x384xf32, #tpu.memory_space<hbm>>) target_semaphore(%arg16 : memref<!tpu.dma_semaphore, #tpu.memory_space<semaphore_mem>>)
    %dma_wait3A_79 = arith.constant 3 : i32
    %dma_wait3A_80 = arith.constant 0 : i32
    %dma_wait3A_81 = tpu.memref_slice %arg5[%dma_wait3A_79, %dma_wait3A_80] : memref<4x32xi32, #tpu.memory_space<vmem>> -> memref<1x32xi32, #tpu.memory_space<vmem>>
    %dma_wait3A_82 = tpu.memref_squeeze %dma_wait3A_81 : memref<1x32xi32, #tpu.memory_space<vmem>> -> memref<32xi32, #tpu.memory_space<vmem>>
    %dma_wait3A_83 = arith.constant 0 : i32
    %dma_wait3A_84 = arith.constant 0 : i32
    %dma_wait3A_85 = tpu.memref_slice %arg2[%dma_wait3A_83, %dma_wait3A_84] : memref<5120x384xf32, #tpu.memory_space<hbm>> -> memref<5120x384xf32, #tpu.memory_space<hbm>>
    tpu.wait_indirect_dma semaphore(%arg13 : memref<!tpu.dma_semaphore, #tpu.memory_space<semaphore_mem>>) src(%dma_wait3A_85 : memref<5120x384xf32, #tpu.memory_space<hbm>>) dst(%arg9 : memref<32x384xf32, #tpu.memory_space<vmem>>)
    %add3A_86 = arith.constant 96 : i32
    %add3A_87 = arith.addi %mul3A_2, %add3A_86 : i32
    %dma_start3A_88 = arith.constant 0 : i32
    %dma_start3A_89 = tpu.memref_slice %arg4[%add3A_87, %dma_start3A_88] : memref<4096x384xf32, #tpu.memory_space<hbm>> -> memref<32x384xf32, #tpu.memory_space<hbm>>
    %dma_start3A_90 = arith.constant 0 : i32
    %dma_start3A_91 = tpu.memref_slice %arg4[%add3A_87, %dma_start3A_90] : memref<4096x384xf32, #tpu.memory_space<hbm>> -> memref<32x384xf32, #tpu.memory_space<hbm>>
    tpu.enqueue_dma source(%arg9 : memref<32x384xf32, #tpu.memory_space<vmem>>) target(%dma_start3A_91 : memref<32x384xf32, #tpu.memory_space<hbm>>) target_semaphore(%arg17 : memref<!tpu.dma_semaphore, #tpu.memory_space<semaphore_mem>>)
    %dma_wait3A_92 = arith.constant 0 : i32
    %dma_wait3A_93 = tpu.memref_slice %arg4[%add3A_48, %dma_wait3A_92] : memref<4096x384xf32, #tpu.memory_space<hbm>> -> memref<32x384xf32, #tpu.memory_space<hbm>>
    %dma_wait3A_94 = arith.constant 0 : i32
    %dma_wait3A_95 = tpu.memref_slice %arg4[%add3A_48, %dma_wait3A_94] : memref<4096x384xf32, #tpu.memory_space<hbm>> -> memref<32x384xf32, #tpu.memory_space<hbm>>
    tpu.wait_dma2 semaphore(%arg14 : memref<!tpu.dma_semaphore, #tpu.memory_space<semaphore_mem>>) src(%arg6 : memref<32x384xf32, #tpu.memory_space<vmem>>) dst(%dma_wait3A_95 : memref<32x384xf32, #tpu.memory_space<hbm>>)
    %dma_wait3A_96 = arith.constant 0 : i32
    %dma_wait3A_97 = tpu.memref_slice %arg4[%add3A_61, %dma_wait3A_96] : memref<4096x384xf32, #tpu.memory_space<hbm>> -> memref<32x384xf32, #tpu.memory_space<hbm>>
    %dma_wait3A_98 = arith.constant 0 : i32
    %dma_wait3A_99 = tpu.memref_slice %arg4[%add3A_61, %dma_wait3A_98] : memref<4096x384xf32, #tpu.memory_space<hbm>> -> memref<32x384xf32, #tpu.memory_space<hbm>>
    tpu.wait_dma2 semaphore(%arg15 : memref<!tpu.dma_semaphore, #tpu.memory_space<semaphore_mem>>) src(%arg7 : memref<32x384xf32, #tpu.memory_space<vmem>>) dst(%dma_wait3A_99 : memref<32x384xf32, #tpu.memory_space<hbm>>)
    %dma_wait3A_100 = arith.constant 0 : i32
    %dma_wait3A_101 = tpu.memref_slice %arg4[%add3A_74, %dma_wait3A_100] : memref<4096x384xf32, #tpu.memory_space<hbm>> -> memref<32x384xf32, #tpu.memory_space<hbm>>
    %dma_wait3A_102 = arith.constant 0 : i32
    %dma_wait3A_103 = tpu.memref_slice %arg4[%add3A_74, %dma_wait3A_102] : memref<4096x384xf32, #tpu.memory_space<hbm>> -> memref<32x384xf32, #tpu.memory_space<hbm>>
    tpu.wait_dma2 semaphore(%arg16 : memref<!tpu.dma_semaphore, #tpu.memory_space<semaphore_mem>>) src(%arg8 : memref<32x384xf32, #tpu.memory_space<vmem>>) dst(%dma_wait3A_103 : memref<32x384xf32, #tpu.memory_space<hbm>>)
    %dma_wait3A_104 = arith.constant 0 : i32
    %dma_wait3A_105 = tpu.memref_slice %arg4[%add3A_87, %dma_wait3A_104] : memref<4096x384xf32, #tpu.memory_space<hbm>> -> memref<32x384xf32, #tpu.memory_space<hbm>>
    %dma_wait3A_106 = arith.constant 0 : i32
    %dma_wait3A_107 = tpu.memref_slice %arg4[%add3A_87, %dma_wait3A_106] : memref<4096x384xf32, #tpu.memory_space<hbm>> -> memref<32x384xf32, #tpu.memory_space<hbm>>
    tpu.wait_dma2 semaphore(%arg17 : memref<!tpu.dma_semaphore, #tpu.memory_space<semaphore_mem>>) src(%arg9 : memref<32x384xf32, #tpu.memory_space<vmem>>) dst(%dma_wait3A_107 : memref<32x384xf32, #tpu.memory_space<hbm>>)
    return
  }
}

#map = affine_map<(d0, d1) -> (0)>
module attributes {stable_mosaic.version = 14 : i64} {
  func.func @k(%arg0: i32, %arg1: i32, %arg2: memref<4096xi32, #tpu.memory_space<hbm>>, %arg3: memref<5120xi32, #tpu.memory_space<hbm>>, %arg4: memref<4096xi32, #tpu.memory_space<hbm>>, %arg5: memref<4096xi32, #tpu.memory_space<vmem>>, %arg6: memref<5136xi32, #tpu.memory_space<vmem>>, %arg7: memref<4096xi32, #tpu.memory_space<vmem>>) attributes {dimension_semantics = [#tpu.dimension_semantics<core_parallel>, #tpu.dimension_semantics<subcore_parallel>], iteration_bounds = array<i64: 2, 16>, scalar_prefetch = 0 : i64, scratch_operands = 3 : i64, tpu.core_type = #tpu.core_type<sc_vector_subcore>, window_params = [{transform_indices = #map}, {transform_indices = #map}, {transform_indices = #map}]} {
    %mul3A = arith.constant 2 : i32
    %mul3A_0 = arith.muli %arg1, %mul3A : i32
    %add3A = arith.addi %mul3A_0, %arg0 : i32
    %eq3A = arith.constant 0 : i32
    %eq3A_1 = arith.cmpi eq, %add3A, %eq3A : i32
    %convert_element_type3A = arith.extui %eq3A_1 : i1 to i32
    %cond3A = arith.constant 0 : i32
    %cond3A_2 = arith.cmpi ne, %convert_element_type3A, %cond3A : i32
    scf.if %cond3A_2 {
      "tpu.region"() ({
        %run_scoped3A = tpu.sem_alloc : memref<!tpu.dma_semaphore, #tpu.memory_space<semaphore_mem>>
        tpu.enqueue_dma source(%arg2 : memref<4096xi32, #tpu.memory_space<hbm>>) target(%arg5 : memref<4096xi32, #tpu.memory_space<vmem>>) target_semaphore(%run_scoped3A : memref<!tpu.dma_semaphore, #tpu.memory_space<semaphore_mem>>)
        tpu.wait_dma2 semaphore(%run_scoped3A : memref<!tpu.dma_semaphore, #tpu.memory_space<semaphore_mem>>) src(%arg2 : memref<4096xi32, #tpu.memory_space<hbm>>) dst(%arg5 : memref<4096xi32, #tpu.memory_space<vmem>>)
        tpu.yield
      }) : () -> ()
      %scan3A = arith.constant 0 : i32
      %scan3A_8 = arith.constant 321 : i32
      %scan3A_9 = arith.addi %scan3A, %scan3A_8 : i32
      %scan3A_10 = arith.constant 1 : i32
      scf.for %scan3A_17 = %scan3A to %scan3A_9 step %scan3A_10  : i32 {
        %mul3A_18 = arith.constant 1 : i32
        %mul3A_19 = arith.muli %scan3A_17, %mul3A_18 : i32
        %add3A_20 = arith.constant 0 : i32
        %add3A_21 = arith.addi %add3A_20, %mul3A_19 : i32
        %mul3A_22 = arith.constant 16 : i32
        %mul3A_23 = arith.muli %add3A_21, %mul3A_22 : i32
        %iota3A = tpu.iota {dimensions = array<i32: 0>} : vector<16xi32>
        %add3A_24 = vector.broadcast %mul3A_23 : i32 to vector<16xi32>
        %add3A_25 = arith.addi %add3A_24, %iota3A : vector<16xi32>
        %and3A = arith.constant 2047 : i32
        %and3A_26 = vector.broadcast %and3A : i32 to vector<16xi32>
        %and3A_27 = arith.andi %add3A_25, %and3A_26 : vector<16xi32>
        %mul3A_28 = arith.constant 16 : i32
        %mul3A_29 = arith.muli %add3A_21, %mul3A_28 : i32
        %swap3A = arith.index_cast %mul3A_29 : i32 to index
        %swap3A_30 = tpu.vector_load %arg6[%swap3A] {strides = array<i32>} : memref<5136xi32, #tpu.memory_space<vmem>>, vector<16xi32>,
        tpu.vector_store %arg6[%swap3A], %and3A_27 {strides = array<i32>} : memref<5136xi32, #tpu.memory_space<vmem>>, vector<16xi32>,
      }
      %scan3A_11 = arith.constant 321 : i32
      %scan3A_12 = arith.constant 0 : i32
      %scan3A_13 = arith.constant 256 : i32
      %scan3A_14 = arith.addi %scan3A_12, %scan3A_13 : i32
      %scan3A_15 = arith.constant 1 : i32
      scf.for %scan3A_17 = %scan3A_12 to %scan3A_14 step %scan3A_15  : i32 {
        %mul3A_18 = arith.constant 1 : i32
        %mul3A_19 = arith.muli %scan3A_17, %mul3A_18 : i32
        %add3A_20 = arith.constant 0 : i32
        %add3A_21 = arith.addi %add3A_20, %mul3A_19 : i32
        %mul3A_22 = arith.constant 16 : i32
        %mul3A_23 = arith.muli %add3A_21, %mul3A_22 : i32
        %iota3A = tpu.iota {dimensions = array<i32: 0>} : vector<16xi32>
        %add3A_24 = vector.broadcast %mul3A_23 : i32 to vector<16xi32>
        %add3A_25 = arith.addi %add3A_24, %iota3A : vector<16xi32>
        %shift_right_logical3A = arith.constant 1 : i32
        %shift_right_logical3A_26 = vector.broadcast %shift_right_logical3A : i32 to vector<16xi32>
        %shift_right_logical3A_27 = arith.shrui %add3A_25, %shift_right_logical3A_26 : vector<16xi32>
        %mul3A_28 = arith.constant 16 : i32
        %mul3A_29 = arith.muli %add3A_21, %mul3A_28 : i32
        %get3A = arith.index_cast %mul3A_29 : i32 to index
        %get3A_30 = tpu.vector_load %arg5[%get3A] {strides = array<i32>} : memref<4096xi32, #tpu.memory_space<vmem>>, vector<16xi32>,
        tpu.vector_store_idx %arg6[%get3A_30], %shift_right_logical3A_27 : memref<5136xi32, #tpu.memory_space<vmem>>[vector<16xi32>], vector<16xi32>,
      }
      %scan3A_16 = arith.constant 256 : i32
      "tpu.region"() ({
        %run_scoped3A = tpu.sem_alloc : memref<!tpu.dma_semaphore, #tpu.memory_space<semaphore_mem>>
        %dma_start3A = arith.constant 0 : i32
        %dma_start3A_17 = tpu.memref_slice %arg6[%dma_start3A] : memref<5136xi32, #tpu.memory_space<vmem>> -> memref<5120xi32, #tpu.memory_space<vmem>>
        %dma_start3A_18 = arith.constant 0 : i32
        %dma_start3A_19 = tpu.memref_slice %arg6[%dma_start3A_18] : memref<5136xi32, #tpu.memory_space<vmem>> -> memref<5120xi32, #tpu.memory_space<vmem>>
        tpu.enqueue_dma source(%dma_start3A_19 : memref<5120xi32, #tpu.memory_space<vmem>>) target(%arg3 : memref<5120xi32, #tpu.memory_space<hbm>>) target_semaphore(%run_scoped3A : memref<!tpu.dma_semaphore, #tpu.memory_space<semaphore_mem>>)
        %dma_wait3A = arith.constant 0 : i32
        %dma_wait3A_20 = tpu.memref_slice %arg6[%dma_wait3A] : memref<5136xi32, #tpu.memory_space<vmem>> -> memref<5120xi32, #tpu.memory_space<vmem>>
        %dma_wait3A_21 = arith.constant 0 : i32
        %dma_wait3A_22 = tpu.memref_slice %arg6[%dma_wait3A_21] : memref<5136xi32, #tpu.memory_space<vmem>> -> memref<5120xi32, #tpu.memory_space<vmem>>
        tpu.wait_dma2 semaphore(%run_scoped3A : memref<!tpu.dma_semaphore, #tpu.memory_space<semaphore_mem>>) src(%dma_wait3A_22 : memref<5120xi32, #tpu.memory_space<vmem>>) dst(%arg3 : memref<5120xi32, #tpu.memory_space<hbm>>)
        tpu.yield
      }) : () -> ()
    } else {
    }
    %eq3A_3 = arith.constant 1 : i32
    %eq3A_4 = arith.cmpi eq, %add3A, %eq3A_3 : i32
    %convert_element_type3A_5 = arith.extui %eq3A_4 : i1 to i32
    %cond3A_6 = arith.constant 0 : i32
    %cond3A_7 = arith.cmpi ne, %convert_element_type3A_5, %cond3A_6 : i32
    scf.if %cond3A_7 {
      "tpu.region"() ({
        %run_scoped3A = tpu.sem_alloc : memref<!tpu.dma_semaphore, #tpu.memory_space<semaphore_mem>>
        tpu.enqueue_dma source(%arg2 : memref<4096xi32, #tpu.memory_space<hbm>>) target(%arg5 : memref<4096xi32, #tpu.memory_space<vmem>>) target_semaphore(%run_scoped3A : memref<!tpu.dma_semaphore, #tpu.memory_space<semaphore_mem>>)
        tpu.wait_dma2 semaphore(%run_scoped3A : memref<!tpu.dma_semaphore, #tpu.memory_space<semaphore_mem>>) src(%arg2 : memref<4096xi32, #tpu.memory_space<hbm>>) dst(%arg5 : memref<4096xi32, #tpu.memory_space<vmem>>)
        tpu.yield
      }) : () -> ()
      %scan3A = arith.constant 0 : i32
      %scan3A_8 = arith.constant 256 : i32
      %scan3A_9 = arith.addi %scan3A, %scan3A_8 : i32
      %scan3A_10 = arith.constant 1 : i32
      scf.for %scan3A_12 = %scan3A to %scan3A_9 step %scan3A_10  : i32 {
        %mul3A_13 = arith.constant 1 : i32
        %mul3A_14 = arith.muli %scan3A_12, %mul3A_13 : i32
        %add3A_15 = arith.constant 0 : i32
        %add3A_16 = arith.addi %add3A_15, %mul3A_14 : i32
        %mul3A_17 = arith.constant 16 : i32
        %mul3A_18 = arith.muli %add3A_16, %mul3A_17 : i32
        %iota3A = tpu.iota {dimensions = array<i32: 0>} : vector<16xi32>
        %add3A_19 = vector.broadcast %mul3A_18 : i32 to vector<16xi32>
        %add3A_20 = arith.addi %add3A_19, %iota3A : vector<16xi32>
        %and3A = arith.constant 2047 : i32
        %and3A_21 = vector.broadcast %and3A : i32 to vector<16xi32>
        %and3A_22 = arith.andi %add3A_20, %and3A_21 : vector<16xi32>
        %shift_right_logical3A = arith.constant 11 : i32
        %shift_right_logical3A_23 = vector.broadcast %shift_right_logical3A : i32 to vector<16xi32>
        %shift_right_logical3A_24 = arith.shrui %add3A_20, %shift_right_logical3A_23 : vector<16xi32>
        %shift_left3A = arith.constant 1 : i32
        %shift_left3A_25 = vector.broadcast %shift_left3A : i32 to vector<16xi32>
        %shift_left3A_26 = arith.shli %and3A_22, %shift_left3A_25 : vector<16xi32>
        %add3A_27 = arith.addi %shift_left3A_26, %shift_right_logical3A_24 : vector<16xi32>
        %gather3A = tpu.vector_load_idx %arg5[%add3A_27] : memref<4096xi32, #tpu.memory_space<vmem>>[vector<16xi32>], vector<16xi32>,
        %ge3A = arith.constant 5120 : i32
        %ge3A_28 = vector.broadcast %ge3A : i32 to vector<16xi32>
        %ge3A_29 = arith.cmpi sge, %gather3A, %ge3A_28 : vector<16xi32>
        %jit3A = arith.constant 0 : i32
        %broadcast_in_dim3A = vector.broadcast %jit3A : i32 to vector<16xi32>
        %select_n3A = arith.select %ge3A_29, %broadcast_in_dim3A, %gather3A : vector<16xi1>, vector<16xi32>
        %mul3A_30 = arith.constant 16 : i32
        %mul3A_31 = arith.muli %add3A_16, %mul3A_30 : i32
        %swap3A = arith.index_cast %mul3A_31 : i32 to index
        %swap3A_32 = tpu.vector_load %arg7[%swap3A] {strides = array<i32>} : memref<4096xi32, #tpu.memory_space<vmem>>, vector<16xi32>,
        tpu.vector_store %arg7[%swap3A], %select_n3A {strides = array<i32>} : memref<4096xi32, #tpu.memory_space<vmem>>, vector<16xi32>,
      }
      %scan3A_11 = arith.constant 256 : i32
      "tpu.region"() ({
        %run_scoped3A = tpu.sem_alloc : memref<!tpu.dma_semaphore, #tpu.memory_space<semaphore_mem>>
        tpu.enqueue_dma source(%arg7 : memref<4096xi32, #tpu.memory_space<vmem>>) target(%arg4 : memref<4096xi32, #tpu.memory_space<hbm>>) target_semaphore(%run_scoped3A : memref<!tpu.dma_semaphore, #tpu.memory_space<semaphore_mem>>)
        tpu.wait_dma2 semaphore(%run_scoped3A : memref<!tpu.dma_semaphore, #tpu.memory_space<semaphore_mem>>) src(%arg7 : memref<4096xi32, #tpu.memory_space<vmem>>) dst(%arg4 : memref<4096xi32, #tpu.memory_space<hbm>>)
        tpu.yield
      }) : () -> ()
    } else {
    }
    return
  }
}

module attributes {stable_mosaic.version = 14 : i64} {
  func.func @_pack_x_body(%arg0: memref<2048x768xf32, #tpu.memory_space<vmem>>, %arg1: memref<2048x384xf32, #tpu.memory_space<vmem>>) attributes {dimension_semantics = [], scalar_prefetch = 0 : i64, scratch_operands = 0 : i64, tpu.core_type = #tpu.core_type<tc>} {
    %get3A = arith.constant 0 : index
    %get3A_0 = arith.constant 0 : index
    %get3A_1 = vector.load %arg0[%get3A, %get3A_0] : memref<2048x768xf32, #tpu.memory_space<vmem>>, vector<2048x768xf32>
    %slice3A = vector.extract_strided_slice %get3A_1 {offsets = [0, 0], sizes = [2048, 384], strides = [1, 1]} : vector<2048x768xf32> to vector<2048x384xf32>
    %slice3A_2 = vector.extract_strided_slice %get3A_1 {offsets = [0, 384], sizes = [2048, 384], strides = [1, 1]} : vector<2048x768xf32> to vector<2048x384xf32>
    %bitcast_convert_type3A = tpu.bitcast %slice3A : vector<2048x384xf32> -> vector<2048x384xi32>
    %bitcast_convert_type3A_3 = tpu.bitcast %slice3A_2 : vector<2048x384xf32> -> vector<2048x384xi32>
    %add3A = arith.constant 32768 : i32
    %add3A_4 = vector.broadcast %add3A : i32 to vector<2048x384xi32>
    %add3A_5 = arith.addi %bitcast_convert_type3A, %add3A_4 : vector<2048x384xi32>
    %shift_right_logical3A = arith.constant 16 : i32
    %shift_right_logical3A_6 = vector.broadcast %shift_right_logical3A : i32 to vector<2048x384xi32>
    %shift_right_logical3A_7 = arith.shrui %add3A_5, %shift_right_logical3A_6 : vector<2048x384xi32>
    %add3A_8 = arith.constant 32768 : i32
    %add3A_9 = vector.broadcast %add3A_8 : i32 to vector<2048x384xi32>
    %add3A_10 = arith.addi %bitcast_convert_type3A_3, %add3A_9 : vector<2048x384xi32>
    %and3A = arith.constant -65536 : i32
    %and3A_11 = vector.broadcast %and3A : i32 to vector<2048x384xi32>
    %and3A_12 = arith.andi %add3A_10, %and3A_11 : vector<2048x384xi32>
    %or3A = arith.ori %shift_right_logical3A_7, %and3A_12 : vector<2048x384xi32>
    %bitcast_convert_type3A_13 = tpu.bitcast %or3A : vector<2048x384xi32> -> vector<2048x384xf32>
    %swap3A = arith.constant 0 : index
    %swap3A_14 = arith.constant 0 : index
    %swap3A_15 = vector.load %arg1[%swap3A, %swap3A_14] : memref<2048x384xf32, #tpu.memory_space<vmem>>, vector<2048x384xf32>
    tpu.vector_store %arg1[%swap3A, %swap3A_14], %bitcast_convert_type3A_13 {strides = array<i32>} : memref<2048x384xf32, #tpu.memory_space<vmem>>, vector<2048x384xf32>,
    return
  }
}

module attributes {stable_mosaic.version = 14 : i64} {
  func.func @_router_body(%arg0: memref<2048x8xf32, #tpu.memory_space<vmem>>, %arg1: memref<2048x2xi32, #tpu.memory_space<vmem>>, %arg2: memref<2048x2xf32, #tpu.memory_space<vmem>>, %arg3: memref<1x1xf32, #tpu.memory_space<vmem>>, %arg4: memref<1x1xf32, #tpu.memory_space<vmem>>) attributes {dimension_semantics = [], scalar_prefetch = 0 : i64, scratch_operands = 0 : i64, tpu.core_type = #tpu.core_type<tc>} {
    %get3A = arith.constant 0 : index
    %get3A_0 = arith.constant 0 : index
    %get3A_1 = vector.load %arg0[%get3A, %get3A_0] : memref<2048x8xf32, #tpu.memory_space<vmem>>, vector<2048x8xf32>
    %reduce_max3A = arith.constant dense<0xFF800000> : vector<2048xf32>
    %reduce_max3A_2 = vector.multi_reduction <maximumf>, %get3A_1, %reduce_max3A [1] : vector<2048x8xf32> to vector<2048xf32>
    %broadcast_in_dim3A = vector.shape_cast %reduce_max3A_2 : vector<2048xf32> to vector<2048x1xf32>
    %sub3A = vector.broadcast %broadcast_in_dim3A : vector<2048x1xf32> to vector<2048x8xf32>
    %sub3A_3 = arith.subf %get3A_1, %sub3A : vector<2048x8xf32>
    %exp3A = math.exp %sub3A_3 : vector<2048x8xf32>
    %reduce_sum3A = arith.constant dense<0.000000e+00> : vector<2048xf32>
    %reduce_sum3A_4 = vector.multi_reduction <add>, %exp3A, %reduce_sum3A [1] : vector<2048x8xf32> to vector<2048xf32>
    %broadcast_in_dim3A_5 = vector.shape_cast %reduce_sum3A_4 : vector<2048xf32> to vector<2048x1xf32>
    %div3A = vector.broadcast %broadcast_in_dim3A_5 : vector<2048x1xf32> to vector<2048x8xf32>
    %div3A_6 = arith.divf %exp3A, %div3A : vector<2048x8xf32>
    %iota3A = tpu.iota {dimensions = array<i32: 1>} : vector<2048x8xi32>
    %reduce_max3A_7 = arith.constant dense<0xFF800000> : vector<2048xf32>
    %reduce_max3A_8 = vector.multi_reduction <maximumf>, %div3A_6, %reduce_max3A_7 [1] : vector<2048x8xf32> to vector<2048xf32>
    %broadcast_in_dim3A_9 = vector.shape_cast %reduce_max3A_8 : vector<2048xf32> to vector<2048x1xf32>
    %eq3A = vector.broadcast %broadcast_in_dim3A_9 : vector<2048x1xf32> to vector<2048x8xf32>
    %eq3A_10 = arith.cmpf oeq, %div3A_6, %eq3A : vector<2048x8xf32>
    %jit3A = arith.constant 8 : i32
    %broadcast_in_dim3A_11 = vector.broadcast %jit3A : i32 to vector<2048x8xi32>
    %select_n3A = arith.select %eq3A_10, %iota3A, %broadcast_in_dim3A_11 : vector<2048x8xi1>, vector<2048x8xi32>
    %reduce_min3A = arith.constant dense<2147483647> : vector<2048xi32>
    %reduce_min3A_12 = vector.multi_reduction <minsi>, %select_n3A, %reduce_min3A [1] : vector<2048x8xi32> to vector<2048xi32>
    %broadcast_in_dim3A_13 = vector.shape_cast %reduce_min3A_12 : vector<2048xi32> to vector<2048x1xi32>
    %eq3A_14 = vector.broadcast %broadcast_in_dim3A_13 : vector<2048x1xi32> to vector<2048x8xi32>
    %eq3A_15 = arith.cmpi eq, %iota3A, %eq3A_14 : vector<2048x8xi32>
    %jit3A_16 = arith.constant -1.000000e+00 : f32
    %broadcast_in_dim3A_17 = vector.broadcast %jit3A_16 : f32 to vector<2048x8xf32>
    %select_n3A_18 = arith.select %eq3A_15, %broadcast_in_dim3A_17, %div3A_6 : vector<2048x8xi1>, vector<2048x8xf32>
    %reduce_max3A_19 = arith.constant dense<0xFF800000> : vector<2048xf32>
    %reduce_max3A_20 = vector.multi_reduction <maximumf>, %select_n3A_18, %reduce_max3A_19 [1] : vector<2048x8xf32> to vector<2048xf32>
    %broadcast_in_dim3A_21 = vector.shape_cast %reduce_max3A_20 : vector<2048xf32> to vector<2048x1xf32>
    %eq3A_22 = vector.broadcast %broadcast_in_dim3A_21 : vector<2048x1xf32> to vector<2048x8xf32>
    %eq3A_23 = arith.cmpf oeq, %select_n3A_18, %eq3A_22 : vector<2048x8xf32>
    %jit3A_24 = arith.constant 8 : i32
    %broadcast_in_dim3A_25 = vector.broadcast %jit3A_24 : i32 to vector<2048x8xi32>
    %select_n3A_26 = arith.select %eq3A_23, %iota3A, %broadcast_in_dim3A_25 : vector<2048x8xi1>, vector<2048x8xi32>
    %reduce_min3A_27 = arith.constant dense<2147483647> : vector<2048xi32>
    %reduce_min3A_28 = vector.multi_reduction <minsi>, %select_n3A_26, %reduce_min3A_27 [1] : vector<2048x8xi32> to vector<2048xi32>
    %broadcast_in_dim3A_29 = vector.shape_cast %reduce_min3A_28 : vector<2048xi32> to vector<2048x1xi32>
    %eq3A_30 = vector.broadcast %broadcast_in_dim3A_29 : vector<2048x1xi32> to vector<2048x8xi32>
    %eq3A_31 = arith.cmpi eq, %iota3A, %eq3A_30 : vector<2048x8xi32>
    %or3A = arith.ori %eq3A_15, %eq3A_31 : vector<2048x8xi1>
    %convert_element_type3A = arith.extui %or3A : vector<2048x8xi1> to vector<2048x8xi32>
    %convert_element_type3A_32 = arith.sitofp %convert_element_type3A : vector<2048x8xi32> to vector<2048x8xf32>
    %reduce_sum3A_33 = arith.constant dense<0.000000e+00> : vector<8xf32>
    %reduce_sum3A_34 = vector.multi_reduction <add>, %convert_element_type3A_32, %reduce_sum3A_33 [0] : vector<2048x8xf32> to vector<8xf32>
    %broadcast_in_dim3A_35 = vector.shape_cast %reduce_sum3A_34 : vector<8xf32> to vector<1x8xf32>
    %gt3A = arith.constant 0.000000e+00 : f32
    %gt3A_36 = vector.broadcast %gt3A : f32 to vector<1x8xf32>
    %gt3A_37 = arith.cmpf ogt, %broadcast_in_dim3A_35, %gt3A_36 : vector<1x8xf32>
    %convert_element_type3A_38 = arith.extui %gt3A_37 : vector<1x8xi1> to vector<1x8xi32>
    %convert_element_type3A_39 = arith.sitofp %convert_element_type3A_38 : vector<1x8xi32> to vector<1x8xf32>
    %reduce_sum3A_40 = vector.shape_cast %convert_element_type3A_39 : vector<1x8xf32> to vector<1x1x8xf32>
    %reduce_sum3A_41 = arith.constant dense<0.000000e+00> : vector<1xf32>
    %reduce_sum3A_42 = vector.multi_reduction <add>, %reduce_sum3A_40, %reduce_sum3A_41 [1, 2] : vector<1x1x8xf32> to vector<1xf32>
    %reduce_sum3A_43 = vector.shape_cast %reduce_sum3A_42 : vector<1xf32> to vector<1x1x1xf32>
    %reduce_sum3A_44 = vector.extract %reduce_sum3A_43[0, 0, 0] : f32 from vector<1x1x1xf32>
    %mul3A = arith.constant 1.250000e+01 : f32
    %mul3A_45 = arith.mulf %reduce_sum3A_44, %mul3A : f32
    %reduce_sum3A_46 = arith.constant dense<0.000000e+00> : vector<8xf32>
    %reduce_sum3A_47 = vector.multi_reduction <add>, %div3A_6, %reduce_sum3A_46 [0] : vector<2048x8xf32> to vector<8xf32>
    %broadcast_in_dim3A_48 = vector.shape_cast %reduce_sum3A_47 : vector<8xf32> to vector<1x8xf32>
    %mul3A_49 = arith.constant 4.8828125E-4 : f32
    %mul3A_50 = vector.broadcast %mul3A_49 : f32 to vector<1x8xf32>
    %mul3A_51 = arith.mulf %broadcast_in_dim3A_48, %mul3A_50 : vector<1x8xf32>
    %mul3A_52 = arith.constant 4.8828125E-4 : f32
    %mul3A_53 = vector.broadcast %mul3A_52 : f32 to vector<1x8xf32>
    %mul3A_54 = arith.mulf %broadcast_in_dim3A_35, %mul3A_53 : vector<1x8xf32>
    %mul3A_55 = arith.mulf %mul3A_51, %mul3A_54 : vector<1x8xf32>
    %reduce_sum3A_56 = vector.shape_cast %mul3A_55 : vector<1x8xf32> to vector<1x1x8xf32>
    %reduce_sum3A_57 = arith.constant dense<0.000000e+00> : vector<1xf32>
    %reduce_sum3A_58 = vector.multi_reduction <add>, %reduce_sum3A_56, %reduce_sum3A_57 [1, 2] : vector<1x1x8xf32> to vector<1xf32>
    %reduce_sum3A_59 = vector.shape_cast %reduce_sum3A_58 : vector<1xf32> to vector<1x1x1xf32>
    %reduce_sum3A_60 = vector.extract %reduce_sum3A_59[0, 0, 0] : f32 from vector<1x1x1xf32>
    %mul3A_61 = arith.constant 8.000000e+00 : f32
    %mul3A_62 = arith.mulf %mul3A_61, %reduce_sum3A_60 : f32
    %reshape3A = vector.broadcast %mul3A_45 : f32 to vector<1x1xf32>
    %swap3A = arith.constant 0 : index
    %swap3A_63 = arith.constant 0 : index
    %swap3A_64 = vector.load %arg4[%swap3A, %swap3A_63] : memref<1x1xf32, #tpu.memory_space<vmem>>, vector<1x1xf32>
    tpu.vector_store %arg4[%swap3A, %swap3A_63], %reshape3A {strides = array<i32>} : memref<1x1xf32, #tpu.memory_space<vmem>>, vector<1x1xf32>,
    %reshape3A_65 = vector.broadcast %mul3A_62 : f32 to vector<1x1xf32>
    %swap3A_66 = arith.constant 0 : index
    %swap3A_67 = arith.constant 0 : index
    %swap3A_68 = vector.load %arg3[%swap3A_66, %swap3A_67] : memref<1x1xf32, #tpu.memory_space<vmem>>, vector<1x1xf32>
    tpu.vector_store %arg3[%swap3A_66, %swap3A_67], %reshape3A_65 {strides = array<i32>} : memref<1x1xf32, #tpu.memory_space<vmem>>, vector<1x1xf32>,
    %convert_element_type3A_69 = arith.extui %or3A : vector<2048x8xi1> to vector<2048x8xi32>
    %broadcast_in_dim3A_70 = arith.constant 0 : i32
    %broadcast_in_dim3A_71 = vector.broadcast %broadcast_in_dim3A_70 : i32 to vector<1x8xi32>
    %slice3A = vector.extract_strided_slice %convert_element_type3A_69 {offsets = [0, 0], sizes = [2047, 8], strides = [1, 1]} : vector<2048x8xi32> to vector<2047x8xi32>
    %concatenate3A = tpu.concatenate %broadcast_in_dim3A_71, %slice3A in 0 : vector<1x8xi32>, vector<2047x8xi32> -> vector<2048x8xi32>
    %add3A = arith.addi %convert_element_type3A_69, %concatenate3A : vector<2048x8xi32>
    %broadcast_in_dim3A_72 = arith.constant 0 : i32
    %broadcast_in_dim3A_73 = vector.broadcast %broadcast_in_dim3A_72 : i32 to vector<2x8xi32>
    %slice3A_74 = vector.extract_strided_slice %add3A {offsets = [0, 0], sizes = [2046, 8], strides = [1, 1]} : vector<2048x8xi32> to vector<2046x8xi32>
    %concatenate3A_75 = tpu.concatenate %broadcast_in_dim3A_73, %slice3A_74 in 0 : vector<2x8xi32>, vector<2046x8xi32> -> vector<2048x8xi32>
    %add3A_76 = arith.addi %add3A, %concatenate3A_75 : vector<2048x8xi32>
    %broadcast_in_dim3A_77 = arith.constant 0 : i32
    %broadcast_in_dim3A_78 = vector.broadcast %broadcast_in_dim3A_77 : i32 to vector<4x8xi32>
    %slice3A_79 = vector.extract_strided_slice %add3A_76 {offsets = [0, 0], sizes = [2044, 8], strides = [1, 1]} : vector<2048x8xi32> to vector<2044x8xi32>
    %concatenate3A_80 = tpu.concatenate %broadcast_in_dim3A_78, %slice3A_79 in 0 : vector<4x8xi32>, vector<2044x8xi32> -> vector<2048x8xi32>
    %add3A_81 = arith.addi %add3A_76, %concatenate3A_80 : vector<2048x8xi32>
    %broadcast_in_dim3A_82 = arith.constant 0 : i32
    %broadcast_in_dim3A_83 = vector.broadcast %broadcast_in_dim3A_82 : i32 to vector<8x8xi32>
    %slice3A_84 = vector.extract_strided_slice %add3A_81 {offsets = [0, 0], sizes = [2040, 8], strides = [1, 1]} : vector<2048x8xi32> to vector<2040x8xi32>
    %concatenate3A_85 = tpu.concatenate %broadcast_in_dim3A_83, %slice3A_84 in 0 : vector<8x8xi32>, vector<2040x8xi32> -> vector<2048x8xi32>
    %add3A_86 = arith.addi %add3A_81, %concatenate3A_85 : vector<2048x8xi32>
    %broadcast_in_dim3A_87 = arith.constant 0 : i32
    %broadcast_in_dim3A_88 = vector.broadcast %broadcast_in_dim3A_87 : i32 to vector<16x8xi32>
    %slice3A_89 = vector.extract_strided_slice %add3A_86 {offsets = [0, 0], sizes = [2032, 8], strides = [1, 1]} : vector<2048x8xi32> to vector<2032x8xi32>
    %concatenate3A_90 = tpu.concatenate %broadcast_in_dim3A_88, %slice3A_89 in 0 : vector<16x8xi32>, vector<2032x8xi32> -> vector<2048x8xi32>
    %add3A_91 = arith.addi %add3A_86, %concatenate3A_90 : vector<2048x8xi32>
    %broadcast_in_dim3A_92 = arith.constant 0 : i32
    %broadcast_in_dim3A_93 = vector.broadcast %broadcast_in_dim3A_92 : i32 to vector<32x8xi32>
    %slice3A_94 = vector.extract_strided_slice %add3A_91 {offsets = [0, 0], sizes = [2016, 8], strides = [1, 1]} : vector<2048x8xi32> to vector<2016x8xi32>
    %concatenate3A_95 = tpu.concatenate %broadcast_in_dim3A_93, %slice3A_94 in 0 : vector<32x8xi32>, vector<2016x8xi32> -> vector<2048x8xi32>
    %add3A_96 = arith.addi %add3A_91, %concatenate3A_95 : vector<2048x8xi32>
    %broadcast_in_dim3A_97 = arith.constant 0 : i32
    %broadcast_in_dim3A_98 = vector.broadcast %broadcast_in_dim3A_97 : i32 to vector<64x8xi32>
    %slice3A_99 = vector.extract_strided_slice %add3A_96 {offsets = [0, 0], sizes = [1984, 8], strides = [1, 1]} : vector<2048x8xi32> to vector<1984x8xi32>
    %concatenate3A_100 = tpu.concatenate %broadcast_in_dim3A_98, %slice3A_99 in 0 : vector<64x8xi32>, vector<1984x8xi32> -> vector<2048x8xi32>
    %add3A_101 = arith.addi %add3A_96, %concatenate3A_100 : vector<2048x8xi32>
    %broadcast_in_dim3A_102 = arith.constant 0 : i32
    %broadcast_in_dim3A_103 = vector.broadcast %broadcast_in_dim3A_102 : i32 to vector<128x8xi32>
    %slice3A_104 = vector.extract_strided_slice %add3A_101 {offsets = [0, 0], sizes = [1920, 8], strides = [1, 1]} : vector<2048x8xi32> to vector<1920x8xi32>
    %concatenate3A_105 = tpu.concatenate %broadcast_in_dim3A_103, %slice3A_104 in 0 : vector<128x8xi32>, vector<1920x8xi32> -> vector<2048x8xi32>
    %add3A_106 = arith.addi %add3A_101, %concatenate3A_105 : vector<2048x8xi32>
    %broadcast_in_dim3A_107 = arith.constant 0 : i32
    %broadcast_in_dim3A_108 = vector.broadcast %broadcast_in_dim3A_107 : i32 to vector<256x8xi32>
    %slice3A_109 = vector.extract_strided_slice %add3A_106 {offsets = [0, 0], sizes = [1792, 8], strides = [1, 1]} : vector<2048x8xi32> to vector<1792x8xi32>
    %concatenate3A_110 = tpu.concatenate %broadcast_in_dim3A_108, %slice3A_109 in 0 : vector<256x8xi32>, vector<1792x8xi32> -> vector<2048x8xi32>
    %add3A_111 = arith.addi %add3A_106, %concatenate3A_110 : vector<2048x8xi32>
    %broadcast_in_dim3A_112 = arith.constant 0 : i32
    %broadcast_in_dim3A_113 = vector.broadcast %broadcast_in_dim3A_112 : i32 to vector<512x8xi32>
    %slice3A_114 = vector.extract_strided_slice %add3A_111 {offsets = [0, 0], sizes = [1536, 8], strides = [1, 1]} : vector<2048x8xi32> to vector<1536x8xi32>
    %concatenate3A_115 = tpu.concatenate %broadcast_in_dim3A_113, %slice3A_114 in 0 : vector<512x8xi32>, vector<1536x8xi32> -> vector<2048x8xi32>
    %add3A_116 = arith.addi %add3A_111, %concatenate3A_115 : vector<2048x8xi32>
    %broadcast_in_dim3A_117 = arith.constant 0 : i32
    %broadcast_in_dim3A_118 = vector.broadcast %broadcast_in_dim3A_117 : i32 to vector<1024x8xi32>
    %slice3A_119 = vector.extract_strided_slice %add3A_116 {offsets = [0, 0], sizes = [1024, 8], strides = [1, 1]} : vector<2048x8xi32> to vector<1024x8xi32>
    %concatenate3A_120 = tpu.concatenate %broadcast_in_dim3A_118, %slice3A_119 in 0 : vector<1024x8xi32>, vector<1024x8xi32> -> vector<2048x8xi32>
    %add3A_121 = arith.addi %add3A_116, %concatenate3A_120 : vector<2048x8xi32>
    %le3A = arith.constant 640 : i32
    %le3A_122 = vector.broadcast %le3A : i32 to vector<2048x8xi32>
    %le3A_123 = arith.cmpi sle, %add3A_121, %le3A_122 : vector<2048x8xi32>
    %and3A = arith.andi %or3A, %le3A_123 : vector<2048x8xi1>
    %mul3A_124 = arith.constant 640 : i32
    %mul3A_125 = vector.broadcast %mul3A_124 : i32 to vector<2048x8xi32>
    %mul3A_126 = arith.muli %iota3A, %mul3A_125 : vector<2048x8xi32>
    %sub3A_127 = arith.constant 1 : i32
    %sub3A_128 = vector.broadcast %sub3A_127 : i32 to vector<2048x8xi32>
    %sub3A_129 = arith.subi %add3A_121, %sub3A_128 : vector<2048x8xi32>
    %add3A_130 = arith.addi %mul3A_126, %sub3A_129 : vector<2048x8xi32>
    %add3A_131 = arith.addf %broadcast_in_dim3A_9, %broadcast_in_dim3A_21 : vector<2048x1xf32>
    %div3A_132 = arith.divf %broadcast_in_dim3A_9, %add3A_131 : vector<2048x1xf32>
    %div3A_133 = arith.divf %broadcast_in_dim3A_21, %add3A_131 : vector<2048x1xf32>
    %and3A_134 = arith.andi %eq3A_15, %and3A : vector<2048x8xi1>
    %jit3A_135 = arith.constant 0 : i32
    %broadcast_in_dim3A_136 = vector.broadcast %jit3A_135 : i32 to vector<2048x8xi32>
    %select_n3A_137 = arith.select %and3A_134, %add3A_130, %broadcast_in_dim3A_136 : vector<2048x8xi1>, vector<2048x8xi32>
    %reduce_sum3A_138 = arith.constant dense<0> : vector<2048xi32>
    %reduce_sum3A_139 = vector.multi_reduction <add>, %select_n3A_137, %reduce_sum3A_138 [1] : vector<2048x8xi32> to vector<2048xi32>
    %broadcast_in_dim3A_140 = vector.shape_cast %reduce_sum3A_139 : vector<2048xi32> to vector<2048x1xi32>
    %convert_element_type3A_141 = arith.extui %and3A_134 : vector<2048x8xi1> to vector<2048x8xi32>
    %reduce_sum3A_142 = arith.constant dense<0> : vector<2048xi32>
    %reduce_sum3A_143 = vector.multi_reduction <add>, %convert_element_type3A_141, %reduce_sum3A_142 [1] : vector<2048x8xi32> to vector<2048xi32>
    %broadcast_in_dim3A_144 = vector.shape_cast %reduce_sum3A_143 : vector<2048xi32> to vector<2048x1xi32>
    %gt3A_145 = arith.constant 0 : i32
    %gt3A_146 = vector.broadcast %gt3A_145 : i32 to vector<2048x1xi32>
    %gt3A_147 = arith.cmpi sgt, %broadcast_in_dim3A_144, %gt3A_146 : vector<2048x1xi32>
    %and3A_148 = arith.andi %eq3A_31, %and3A : vector<2048x8xi1>
    %jit3A_149 = arith.constant 0 : i32
    %broadcast_in_dim3A_150 = vector.broadcast %jit3A_149 : i32 to vector<2048x8xi32>
    %select_n3A_151 = arith.select %and3A_148, %add3A_130, %broadcast_in_dim3A_150 : vector<2048x8xi1>, vector<2048x8xi32>
    %reduce_sum3A_152 = arith.constant dense<0> : vector<2048xi32>
    %reduce_sum3A_153 = vector.multi_reduction <add>, %select_n3A_151, %reduce_sum3A_152 [1] : vector<2048x8xi32> to vector<2048xi32>
    %broadcast_in_dim3A_154 = vector.shape_cast %reduce_sum3A_153 : vector<2048xi32> to vector<2048x1xi32>
    %convert_element_type3A_155 = arith.extui %and3A_148 : vector<2048x8xi1> to vector<2048x8xi32>
    %reduce_sum3A_156 = arith.constant dense<0> : vector<2048xi32>
    %reduce_sum3A_157 = vector.multi_reduction <add>, %convert_element_type3A_155, %reduce_sum3A_156 [1] : vector<2048x8xi32> to vector<2048xi32>
    %broadcast_in_dim3A_158 = vector.shape_cast %reduce_sum3A_157 : vector<2048xi32> to vector<2048x1xi32>
    %gt3A_159 = arith.constant 0 : i32
    %gt3A_160 = vector.broadcast %gt3A_159 : i32 to vector<2048x1xi32>
    %gt3A_161 = arith.cmpi sgt, %broadcast_in_dim3A_158, %gt3A_160 : vector<2048x1xi32>
    %jit3A_162 = arith.constant 5120 : i32
    %broadcast_in_dim3A_163 = vector.broadcast %jit3A_162 : i32 to vector<2048x1xi32>
    %select_n3A_164 = arith.select %gt3A_147, %broadcast_in_dim3A_140, %broadcast_in_dim3A_163 : vector<2048x1xi1>, vector<2048x1xi32>
    %jit3A_165 = arith.constant 5120 : i32
    %broadcast_in_dim3A_166 = vector.broadcast %jit3A_165 : i32 to vector<2048x1xi32>
    %select_n3A_167 = arith.select %gt3A_161, %broadcast_in_dim3A_154, %broadcast_in_dim3A_166 : vector<2048x1xi1>, vector<2048x1xi32>
    %concatenate3A_168 = tpu.concatenate %select_n3A_164, %select_n3A_167 in 1 : vector<2048x1xi32>, vector<2048x1xi32> -> vector<2048x2xi32>
    %swap3A_169 = arith.constant 0 : index
    %swap3A_170 = arith.constant 0 : index
    %swap3A_171 = vector.load %arg1[%swap3A_169, %swap3A_170] : memref<2048x2xi32, #tpu.memory_space<vmem>>, vector<2048x2xi32>
    tpu.vector_store %arg1[%swap3A_169, %swap3A_170], %concatenate3A_168 {strides = array<i32>} : memref<2048x2xi32, #tpu.memory_space<vmem>>, vector<2048x2xi32>,
    %jit3A_172 = arith.constant 0.000000e+00 : f32
    %broadcast_in_dim3A_173 = vector.broadcast %jit3A_172 : f32 to vector<2048x1xf32>
    %select_n3A_174 = arith.select %gt3A_147, %div3A_132, %broadcast_in_dim3A_173 : vector<2048x1xi1>, vector<2048x1xf32>
    %jit3A_175 = arith.constant 0.000000e+00 : f32
    %broadcast_in_dim3A_176 = vector.broadcast %jit3A_175 : f32 to vector<2048x1xf32>
    %select_n3A_177 = arith.select %gt3A_161, %div3A_133, %broadcast_in_dim3A_176 : vector<2048x1xi1>, vector<2048x1xf32>
    %concatenate3A_178 = tpu.concatenate %select_n3A_174, %select_n3A_177 in 1 : vector<2048x1xf32>, vector<2048x1xf32> -> vector<2048x2xf32>
    %swap3A_179 = arith.constant 0 : index
    %swap3A_180 = arith.constant 0 : index
    %swap3A_181 = vector.load %arg2[%swap3A_179, %swap3A_180] : memref<2048x2xf32, #tpu.memory_space<vmem>>, vector<2048x2xf32>
    tpu.vector_store %arg2[%swap3A_179, %swap3A_180], %concatenate3A_178 {strides = array<i32>} : memref<2048x2xf32, #tpu.memory_space<vmem>>, vector<2048x2xf32>,
    return
  }
}

module attributes {stable_mosaic.version = 14 : i64} {
  func.func @_expert_ffn_body(%arg0: i32, %arg1: memref<1x640x384xf32, #tpu.memory_space<vmem>>, %arg2: memref<1x1024x768xf32, #tpu.memory_space<vmem>>, %arg3: memref<1x768x1024xf32, #tpu.memory_space<vmem>>, %arg4: memref<1x1024x768xf32, #tpu.memory_space<vmem>>, %arg5: memref<1x640x384xf32, #tpu.memory_space<vmem>>) attributes {dimension_semantics = [#tpu.dimension_semantics<arbitrary>], iteration_bounds = array<i64: 8>, scalar_prefetch = 0 : i64, scratch_operands = 0 : i64, tpu.core_type = #tpu.core_type<tc>, window_params = [{transform_indices = @transform_0, window_bounds = array<i64: 1, 640, 384>}, {transform_indices = @transform_1, window_bounds = array<i64: 1, 1024, 768>}, {transform_indices = @transform_2, window_bounds = array<i64: 1, 768, 1024>}, {transform_indices = @transform_3, window_bounds = array<i64: 1, 1024, 768>}, {transform_indices = @transform_4, window_bounds = array<i64: 1, 640, 384>}]} {
    %get3A = arith.constant 0 : index
    %get3A_0 = arith.constant 0 : index
    %get3A_1 = arith.constant 0 : index
    %get3A_2 = vector.load %arg1[%get3A, %get3A_0, %get3A_1] : memref<1x640x384xf32, #tpu.memory_space<vmem>>, vector<1x640x384xf32>
    %get3A_3 = vector.shape_cast %get3A_2 : vector<1x640x384xf32> to vector<640x384xf32>
    %bitcast_convert_type3A = tpu.bitcast %get3A_3 : vector<640x384xf32> -> vector<640x384xi32>
    %shift_left3A = arith.constant 16 : i32
    %shift_left3A_4 = vector.broadcast %shift_left3A : i32 to vector<640x384xi32>
    %shift_left3A_5 = arith.shli %bitcast_convert_type3A, %shift_left3A_4 : vector<640x384xi32>
    %bitcast_convert_type3A_6 = tpu.bitcast %shift_left3A_5 : vector<640x384xi32> -> vector<640x384xf32>
    %and3A = arith.constant -65536 : i32
    %and3A_7 = vector.broadcast %and3A : i32 to vector<640x384xi32>
    %and3A_8 = arith.andi %bitcast_convert_type3A, %and3A_7 : vector<640x384xi32>
    %bitcast_convert_type3A_9 = tpu.bitcast %and3A_8 : vector<640x384xi32> -> vector<640x384xf32>
    %concatenate3A = tpu.concatenate %bitcast_convert_type3A_6, %bitcast_convert_type3A_9 in 1 : vector<640x384xf32>, vector<640x384xf32> -> vector<640x768xf32>
    %get3A_10 = arith.constant 0 : index
    %get3A_11 = arith.constant 0 : index
    %get3A_12 = arith.constant 0 : index
    %get3A_13 = vector.load %arg2[%get3A_10, %get3A_11, %get3A_12] : memref<1x1024x768xf32, #tpu.memory_space<vmem>>, vector<1x1024x768xf32>
    %get3A_14 = vector.shape_cast %get3A_13 : vector<1x1024x768xf32> to vector<1024x768xf32>
    %get3A_15 = arith.constant 0 : index
    %get3A_16 = arith.constant 0 : index
    %get3A_17 = arith.constant 0 : index
    %get3A_18 = vector.load %arg3[%get3A_15, %get3A_16, %get3A_17] : memref<1x768x1024xf32, #tpu.memory_space<vmem>>, vector<1x768x1024xf32>
    %get3A_19 = vector.shape_cast %get3A_18 : vector<1x768x1024xf32> to vector<768x1024xf32>
    %get3A_20 = arith.constant 0 : index
    %get3A_21 = arith.constant 0 : index
    %get3A_22 = arith.constant 0 : index
    %get3A_23 = vector.load %arg4[%get3A_20, %get3A_21, %get3A_22] : memref<1x1024x768xf32, #tpu.memory_space<vmem>>, vector<1x1024x768xf32>
    %get3A_24 = vector.shape_cast %get3A_23 : vector<1x1024x768xf32> to vector<1024x768xf32>
    %dot_general3A = arith.constant dense<0.000000e+00> : vector<640x1024xf32>
    %dot_general3A_25 = tpu.matmul %concatenate3A, %get3A_14, %dot_general3A {dimension_numbers = #tpu.dot_dimension_numbers<[1], [1], [0], [0], [0, 0, 1, 0], [], []>, transpose_lhs_hint = false} : vector<640x768xf32>, vector<1024x768xf32>, vector<640x1024xf32> -> vector<640x1024xf32>
    %dot_general3A_26 = arith.constant dense<0.000000e+00> : vector<640x1024xf32>
    %dot_general3A_27 = tpu.matmul %concatenate3A, %get3A_24, %dot_general3A_26 {dimension_numbers = #tpu.dot_dimension_numbers<[1], [1], [0], [0], [0, 0, 1, 0], [], []>, transpose_lhs_hint = false} : vector<640x768xf32>, vector<1024x768xf32>, vector<640x1024xf32> -> vector<640x1024xf32>
    %neg3A = arith.constant 0.000000e+00 : f32
    %neg3A_28 = vector.broadcast %neg3A : f32 to vector<640x1024xf32>
    %neg3A_29 = arith.subf %neg3A_28, %dot_general3A_25 : vector<640x1024xf32>
    %exp3A = math.exp %neg3A_29 : vector<640x1024xf32>
    %add3A = arith.constant 1.000000e+00 : f32
    %add3A_30 = vector.broadcast %add3A : f32 to vector<640x1024xf32>
    %add3A_31 = arith.addf %add3A_30, %exp3A : vector<640x1024xf32>
    %div3A = arith.constant 1.000000e+00 : f32
    %div3A_32 = vector.broadcast %div3A : f32 to vector<640x1024xf32>
    %div3A_33 = arith.divf %div3A_32, %add3A_31 : vector<640x1024xf32>
    %mul3A = arith.mulf %dot_general3A_25, %div3A_33 : vector<640x1024xf32>
    %mul3A_34 = arith.mulf %mul3A, %dot_general3A_27 : vector<640x1024xf32>
    %dot_general3A_35 = arith.constant dense<0.000000e+00> : vector<640x768xf32>
    %dot_general3A_36 = tpu.matmul %mul3A_34, %get3A_19, %dot_general3A_35 {dimension_numbers = #tpu.dot_dimension_numbers<[1], [1], [0], [0], [0, 0, 1, 0], [], []>, transpose_lhs_hint = false} : vector<640x1024xf32>, vector<768x1024xf32>, vector<640x768xf32> -> vector<640x768xf32>
    %slice3A = vector.extract_strided_slice %dot_general3A_36 {offsets = [0, 0], sizes = [640, 384], strides = [1, 1]} : vector<640x768xf32> to vector<640x384xf32>
    %slice3A_37 = vector.extract_strided_slice %dot_general3A_36 {offsets = [0, 384], sizes = [640, 384], strides = [1, 1]} : vector<640x768xf32> to vector<640x384xf32>
    %bitcast_convert_type3A_38 = tpu.bitcast %slice3A : vector<640x384xf32> -> vector<640x384xi32>
    %bitcast_convert_type3A_39 = tpu.bitcast %slice3A_37 : vector<640x384xf32> -> vector<640x384xi32>
    %add3A_40 = arith.constant 32768 : i32
    %add3A_41 = vector.broadcast %add3A_40 : i32 to vector<640x384xi32>
    %add3A_42 = arith.addi %bitcast_convert_type3A_38, %add3A_41 : vector<640x384xi32>
    %shift_right_logical3A = arith.constant 16 : i32
    %shift_right_logical3A_43 = vector.broadcast %shift_right_logical3A : i32 to vector<640x384xi32>
    %shift_right_logical3A_44 = arith.shrui %add3A_42, %shift_right_logical3A_43 : vector<640x384xi32>
    %add3A_45 = arith.constant 32768 : i32
    %add3A_46 = vector.broadcast %add3A_45 : i32 to vector<640x384xi32>
    %add3A_47 = arith.addi %bitcast_convert_type3A_39, %add3A_46 : vector<640x384xi32>
    %and3A_48 = arith.constant -65536 : i32
    %and3A_49 = vector.broadcast %and3A_48 : i32 to vector<640x384xi32>
    %and3A_50 = arith.andi %add3A_47, %and3A_49 : vector<640x384xi32>
    %or3A = arith.ori %shift_right_logical3A_44, %and3A_50 : vector<640x384xi32>
    %bitcast_convert_type3A_51 = tpu.bitcast %or3A : vector<640x384xi32> -> vector<640x384xf32>
    %swap3A = arith.constant 0 : index
    %swap3A_52 = arith.constant 0 : index
    %swap3A_53 = arith.constant 0 : index
    %swap3A_54 = vector.load %arg5[%swap3A, %swap3A_52, %swap3A_53] : memref<1x640x384xf32, #tpu.memory_space<vmem>>, vector<1x640x384xf32>
    %swap3A_55 = vector.shape_cast %swap3A_54 : vector<1x640x384xf32> to vector<640x384xf32>
    %swap3A_56 = vector.shape_cast %bitcast_convert_type3A_51 : vector<640x384xf32> to vector<1x640x384xf32>
    tpu.vector_store %arg5[%swap3A, %swap3A_52, %swap3A_53], %swap3A_56 {strides = array<i32>} : memref<1x640x384xf32, #tpu.memory_space<vmem>>, vector<1x640x384xf32>,
    return
  }
  func.func @transform_0(%arg0: i32) -> (i32, i32, i32) {
    %c0_i32 = arith.constant 0 : i32
    %c0_i32_0 = arith.constant 0 : i32
    %c0_i32_1 = arith.constant 0 : i32
    return %arg0, %c0_i32, %c0_i32_0 : i32, i32, i32
  }
  func.func @transform_1(%arg0: i32) -> (i32, i32, i32) {
    %c0_i32 = arith.constant 0 : i32
    %c0_i32_0 = arith.constant 0 : i32
    %c0_i32_1 = arith.constant 0 : i32
    return %arg0, %c0_i32, %c0_i32_0 : i32, i32, i32
  }
  func.func @transform_2(%arg0: i32) -> (i32, i32, i32) {
    %c0_i32 = arith.constant 0 : i32
    %c0_i32_0 = arith.constant 0 : i32
    %c0_i32_1 = arith.constant 0 : i32
    return %arg0, %c0_i32, %c0_i32_0 : i32, i32, i32
  }
  func.func @transform_3(%arg0: i32) -> (i32, i32, i32) {
    %c0_i32 = arith.constant 0 : i32
    %c0_i32_0 = arith.constant 0 : i32
    %c0_i32_1 = arith.constant 0 : i32
    return %arg0, %c0_i32, %c0_i32_0 : i32, i32, i32
  }
  func.func @transform_4(%arg0: i32) -> (i32, i32, i32) {
    %c0_i32 = arith.constant 0 : i32
    %c0_i32_0 = arith.constant 0 : i32
    %c0_i32_1 = arith.constant 0 : i32
    return %arg0, %c0_i32, %c0_i32_0 : i32, i32, i32
  }
}

module attributes {stable_mosaic.version = 14 : i64} {
  func.func @_shared_ffn_body(%arg0: i32, %arg1: memref<512x768xf32, #tpu.memory_space<vmem>>, %arg2: memref<1024x768xf32, #tpu.memory_space<vmem>>, %arg3: memref<768x1024xf32, #tpu.memory_space<vmem>>, %arg4: memref<1024x768xf32, #tpu.memory_space<vmem>>, %arg5: memref<512x768xf32, #tpu.memory_space<vmem>>) attributes {dimension_semantics = [#tpu.dimension_semantics<arbitrary>], iteration_bounds = array<i64: 4>, scalar_prefetch = 0 : i64, scratch_operands = 0 : i64, tpu.core_type = #tpu.core_type<tc>, window_params = [{transform_indices = @transform_0, window_bounds = array<i64: 512, 768>}, {pipeline_mode = #tpu.pipeline_mode<synchronous>, transform_indices = @transform_1, window_bounds = array<i64: 1024, 768>}, {pipeline_mode = #tpu.pipeline_mode<synchronous>, transform_indices = @transform_2, window_bounds = array<i64: 768, 1024>}, {pipeline_mode = #tpu.pipeline_mode<synchronous>, transform_indices = @transform_3, window_bounds = array<i64: 1024, 768>}, {transform_indices = @transform_4, window_bounds = array<i64: 512, 768>}]} {
    %get3A = arith.constant 0 : index
    %get3A_0 = arith.constant 0 : index
    %get3A_1 = vector.load %arg1[%get3A, %get3A_0] : memref<512x768xf32, #tpu.memory_space<vmem>>, vector<512x768xf32>
    %get3A_2 = arith.constant 0 : index
    %get3A_3 = arith.constant 0 : index
    %get3A_4 = vector.load %arg2[%get3A_2, %get3A_3] : memref<1024x768xf32, #tpu.memory_space<vmem>>, vector<1024x768xf32>
    %get3A_5 = arith.constant 0 : index
    %get3A_6 = arith.constant 0 : index
    %get3A_7 = vector.load %arg3[%get3A_5, %get3A_6] : memref<768x1024xf32, #tpu.memory_space<vmem>>, vector<768x1024xf32>
    %get3A_8 = arith.constant 0 : index
    %get3A_9 = arith.constant 0 : index
    %get3A_10 = vector.load %arg4[%get3A_8, %get3A_9] : memref<1024x768xf32, #tpu.memory_space<vmem>>, vector<1024x768xf32>
    %dot_general3A = arith.constant dense<0.000000e+00> : vector<512x1024xf32>
    %dot_general3A_11 = tpu.matmul %get3A_1, %get3A_4, %dot_general3A {dimension_numbers = #tpu.dot_dimension_numbers<[1], [1], [0], [0], [0, 0, 1, 0], [], []>, transpose_lhs_hint = false} : vector<512x768xf32>, vector<1024x768xf32>, vector<512x1024xf32> -> vector<512x1024xf32>
    %dot_general3A_12 = arith.constant dense<0.000000e+00> : vector<512x1024xf32>
    %dot_general3A_13 = tpu.matmul %get3A_1, %get3A_10, %dot_general3A_12 {dimension_numbers = #tpu.dot_dimension_numbers<[1], [1], [0], [0], [0, 0, 1, 0], [], []>, transpose_lhs_hint = false} : vector<512x768xf32>, vector<1024x768xf32>, vector<512x1024xf32> -> vector<512x1024xf32>
    %neg3A = arith.constant 0.000000e+00 : f32
    %neg3A_14 = vector.broadcast %neg3A : f32 to vector<512x1024xf32>
    %neg3A_15 = arith.subf %neg3A_14, %dot_general3A_11 : vector<512x1024xf32>
    %exp3A = math.exp %neg3A_15 : vector<512x1024xf32>
    %add3A = arith.constant 1.000000e+00 : f32
    %add3A_16 = vector.broadcast %add3A : f32 to vector<512x1024xf32>
    %add3A_17 = arith.addf %add3A_16, %exp3A : vector<512x1024xf32>
    %div3A = arith.constant 1.000000e+00 : f32
    %div3A_18 = vector.broadcast %div3A : f32 to vector<512x1024xf32>
    %div3A_19 = arith.divf %div3A_18, %add3A_17 : vector<512x1024xf32>
    %mul3A = arith.mulf %dot_general3A_11, %div3A_19 : vector<512x1024xf32>
    %mul3A_20 = arith.mulf %mul3A, %dot_general3A_13 : vector<512x1024xf32>
    %dot_general3A_21 = arith.constant dense<0.000000e+00> : vector<512x768xf32>
    %dot_general3A_22 = tpu.matmul %mul3A_20, %get3A_7, %dot_general3A_21 {dimension_numbers = #tpu.dot_dimension_numbers<[1], [1], [0], [0], [0, 0, 1, 0], [], []>, transpose_lhs_hint = false} : vector<512x1024xf32>, vector<768x1024xf32>, vector<512x768xf32> -> vector<512x768xf32>
    %swap3A = arith.constant 0 : index
    %swap3A_23 = arith.constant 0 : index
    %swap3A_24 = vector.load %arg5[%swap3A, %swap3A_23] : memref<512x768xf32, #tpu.memory_space<vmem>>, vector<512x768xf32>
    tpu.vector_store %arg5[%swap3A, %swap3A_23], %dot_general3A_22 {strides = array<i32>} : memref<512x768xf32, #tpu.memory_space<vmem>>, vector<512x768xf32>,
    return
  }
  func.func @transform_0(%arg0: i32) -> (i32, i32) {
    %c0_i32 = arith.constant 0 : i32
    %c0_i32_0 = arith.constant 0 : i32
    return %arg0, %c0_i32 : i32, i32
  }
  func.func @transform_1(%arg0: i32) -> (i32, i32) {
    %c0_i32 = arith.constant 0 : i32
    %c0_i32_0 = arith.constant 0 : i32
    %c0_i32_1 = arith.constant 0 : i32
    return %c0_i32, %c0_i32_0 : i32, i32
  }
  func.func @transform_2(%arg0: i32) -> (i32, i32) {
    %c0_i32 = arith.constant 0 : i32
    %c0_i32_0 = arith.constant 0 : i32
    %c0_i32_1 = arith.constant 0 : i32
    return %c0_i32, %c0_i32_0 : i32, i32
  }
  func.func @transform_3(%arg0: i32) -> (i32, i32) {
    %c0_i32 = arith.constant 0 : i32
    %c0_i32_0 = arith.constant 0 : i32
    %c0_i32_1 = arith.constant 0 : i32
    return %c0_i32, %c0_i32_0 : i32, i32
  }
  func.func @transform_4(%arg0: i32) -> (i32, i32) {
    %c0_i32 = arith.constant 0 : i32
    %c0_i32_0 = arith.constant 0 : i32
    return %arg0, %c0_i32 : i32, i32
  }
}

module attributes {stable_mosaic.version = 14 : i64} {
  func.func @_combine_body(%arg0: i32, %arg1: memref<512x384xf32, #tpu.memory_space<vmem>>, %arg2: memref<512x384xf32, #tpu.memory_space<vmem>>, %arg3: memref<512x768xf32, #tpu.memory_space<vmem>>, %arg4: memref<512x2xf32, #tpu.memory_space<vmem>>, %arg5: memref<512x768xf32, #tpu.memory_space<vmem>>) attributes {dimension_semantics = [#tpu.dimension_semantics<arbitrary>], iteration_bounds = array<i64: 4>, scalar_prefetch = 0 : i64, scratch_operands = 0 : i64, tpu.core_type = #tpu.core_type<tc>, window_params = [{transform_indices = @transform_0, window_bounds = array<i64: 512, 384>}, {transform_indices = @transform_1, window_bounds = array<i64: 512, 384>}, {transform_indices = @transform_2, window_bounds = array<i64: 512, 768>}, {transform_indices = @transform_3, window_bounds = array<i64: 512, 2>}, {transform_indices = @transform_4, window_bounds = array<i64: 512, 768>}]} {
    %get3A = arith.constant 0 : index
    %get3A_0 = arith.constant 0 : index
    %get3A_1 = vector.load %arg1[%get3A, %get3A_0] : memref<512x384xf32, #tpu.memory_space<vmem>>, vector<512x384xf32>
    %bitcast_convert_type3A = tpu.bitcast %get3A_1 : vector<512x384xf32> -> vector<512x384xi32>
    %shift_left3A = arith.constant 16 : i32
    %shift_left3A_2 = vector.broadcast %shift_left3A : i32 to vector<512x384xi32>
    %shift_left3A_3 = arith.shli %bitcast_convert_type3A, %shift_left3A_2 : vector<512x384xi32>
    %bitcast_convert_type3A_4 = tpu.bitcast %shift_left3A_3 : vector<512x384xi32> -> vector<512x384xf32>
    %and3A = arith.constant -65536 : i32
    %and3A_5 = vector.broadcast %and3A : i32 to vector<512x384xi32>
    %and3A_6 = arith.andi %bitcast_convert_type3A, %and3A_5 : vector<512x384xi32>
    %bitcast_convert_type3A_7 = tpu.bitcast %and3A_6 : vector<512x384xi32> -> vector<512x384xf32>
    %concatenate3A = tpu.concatenate %bitcast_convert_type3A_4, %bitcast_convert_type3A_7 in 1 : vector<512x384xf32>, vector<512x384xf32> -> vector<512x768xf32>
    %get3A_8 = arith.constant 0 : index
    %get3A_9 = arith.constant 0 : index
    %get3A_10 = vector.load %arg2[%get3A_8, %get3A_9] : memref<512x384xf32, #tpu.memory_space<vmem>>, vector<512x384xf32>
    %bitcast_convert_type3A_11 = tpu.bitcast %get3A_10 : vector<512x384xf32> -> vector<512x384xi32>
    %shift_left3A_12 = arith.constant 16 : i32
    %shift_left3A_13 = vector.broadcast %shift_left3A_12 : i32 to vector<512x384xi32>
    %shift_left3A_14 = arith.shli %bitcast_convert_type3A_11, %shift_left3A_13 : vector<512x384xi32>
    %bitcast_convert_type3A_15 = tpu.bitcast %shift_left3A_14 : vector<512x384xi32> -> vector<512x384xf32>
    %and3A_16 = arith.constant -65536 : i32
    %and3A_17 = vector.broadcast %and3A_16 : i32 to vector<512x384xi32>
    %and3A_18 = arith.andi %bitcast_convert_type3A_11, %and3A_17 : vector<512x384xi32>
    %bitcast_convert_type3A_19 = tpu.bitcast %and3A_18 : vector<512x384xi32> -> vector<512x384xf32>
    %concatenate3A_20 = tpu.concatenate %bitcast_convert_type3A_15, %bitcast_convert_type3A_19 in 1 : vector<512x384xf32>, vector<512x384xf32> -> vector<512x768xf32>
    %get3A_21 = arith.constant 0 : index
    %get3A_22 = arith.constant 0 : index
    %get3A_23 = vector.load %arg4[%get3A_21, %get3A_22] : memref<512x2xf32, #tpu.memory_space<vmem>>, vector<512x2xf32>
    %get3A_24 = arith.constant 0 : index
    %get3A_25 = arith.constant 0 : index
    %get3A_26 = vector.load %arg3[%get3A_24, %get3A_25] : memref<512x768xf32, #tpu.memory_space<vmem>>, vector<512x768xf32>
    %slice3A = vector.extract_strided_slice %get3A_23 {offsets = [0, 0], sizes = [512, 1], strides = [1, 1]} : vector<512x2xf32> to vector<512x1xf32>
    %mul3A = vector.broadcast %slice3A : vector<512x1xf32> to vector<512x768xf32>
    %mul3A_27 = arith.mulf %mul3A, %concatenate3A : vector<512x768xf32>
    %add3A = arith.addf %get3A_26, %mul3A_27 : vector<512x768xf32>
    %slice3A_28 = vector.extract_strided_slice %get3A_23 {offsets = [0, 1], sizes = [512, 1], strides = [1, 1]} : vector<512x2xf32> to vector<512x1xf32>
    %mul3A_29 = vector.broadcast %slice3A_28 : vector<512x1xf32> to vector<512x768xf32>
    %mul3A_30 = arith.mulf %mul3A_29, %concatenate3A_20 : vector<512x768xf32>
    %add3A_31 = arith.addf %add3A, %mul3A_30 : vector<512x768xf32>
    %swap3A = arith.constant 0 : index
    %swap3A_32 = arith.constant 0 : index
    %swap3A_33 = vector.load %arg5[%swap3A, %swap3A_32] : memref<512x768xf32, #tpu.memory_space<vmem>>, vector<512x768xf32>
    tpu.vector_store %arg5[%swap3A, %swap3A_32], %add3A_31 {strides = array<i32>} : memref<512x768xf32, #tpu.memory_space<vmem>>, vector<512x768xf32>,
    return
  }
  func.func @transform_0(%arg0: i32) -> (i32, i32) {
    %c0_i32 = arith.constant 0 : i32
    %c0_i32_0 = arith.constant 0 : i32
    return %arg0, %c0_i32 : i32, i32
  }
  func.func @transform_1(%arg0: i32) -> (i32, i32) {
    %add3A = arith.constant 4 : i32
    %add3A_0 = arith.addi %arg0, %add3A : i32
    %c0_i32 = arith.constant 0 : i32
    %c0_i32_1 = arith.constant 0 : i32
    return %add3A_0, %c0_i32 : i32, i32
  }
  func.func @transform_2(%arg0: i32) -> (i32, i32) {
    %c0_i32 = arith.constant 0 : i32
    %c0_i32_0 = arith.constant 0 : i32
    return %arg0, %c0_i32 : i32, i32
  }
  func.func @transform_3(%arg0: i32) -> (i32, i32) {
    %c0_i32 = arith.constant 0 : i32
    %c0_i32_0 = arith.constant 0 : i32
    return %arg0, %c0_i32 : i32, i32
  }
  func.func @transform_4(%arg0: i32) -> (i32, i32) {
    %c0_i32 = arith.constant 0 : i32
    %c0_i32_0 = arith.constant 0 : i32
    return %arg0, %c0_i32 : i32, i32
  }
}

</mosaic_0001>

<sc_bundles>
// kernel: kernel.10.cloned.1.call-start
scs
__scs_entry_jumppad:
0x0: {  	(pc) =	sbr.rel $0x88, $3  }
0x1: {  	(tag) =	ssettag $0x0;
	lr =	simm.s32 $0x1  }
0x2: {  	[smem:$0x3F99] =	sst lr;
	_ =	strace $0xD0000000  }
0x3: {  	_ = 	snop  }
0x4: {  	_ = 	snop  }
0x5: {  	_ = 	snop  }
0x6: {  	_ = 	snop  }
0x7: {  	_ = 	snop  }
__scs_overlays_trampoline_lowered:
0x8: {  	[smem:$0x3FA8] =	sst s0  }
0x9: {  	[smem:$0x3FA9] =	sst s1  }
0xa: {  	[smem:$0x3FAA] =	sst s2  }
0xb: {  	[smem:$0x3FAB] =	sst s3  }
0xc: {  	[smem:$0x3FAC] =	sst s4  }
0xd: {  	[smem:$0x3FAD] =	sst s5  }
0xe: {  	[smem:$0x3FAE] =	sst s6  }
0xf: {  	[smem:$0x3FAF] =	sst s7  }
0x10: {  	[smem:$0x3FB0] =	sst s8  }
0x11: {  	[smem:$0x3FB1] =	sst s9;
	s0 =	simm.s32 @!p0 $0x0  }
0x12: {  	s1 =	sld [smem:$0x3F97];
	s0 =	simm.s32 @p0 $0x1  }
0x13: {  	[smem:$0x3FB2] =	sst s0;
	s0 =	simm.s32 @!p1 $0x0  }
0x14: {  	s2 =	sld [smem:$0x3F96];
	s0 =	simm.s32 @p1 $0x1  }
0x15: {  	[smem:$0x3FB3] =	sst s0;
	s0 =	simm.s32 @!p2 $0x0  }
0x16: {  	s3 =	sld [smem:$0x3FDB];
	s0 =	simm.s32 @p2 $0x1  }
0x17: {  	s4 =	simm.s32 $0x1BF5;
	[smem:$0x3FB5] =	sst s0  }
0x18: {  	s0 =	sld [smem:$0x3F98];
	_ =	swait.ge [sflag:s4], $0x0  }
0x19: {  	s7 =	sld [smem:$0x3F99]  }
0x1a: {  	s8 =	sadd.s32 $0xFFFFE003, lr  }
0x1b: {  	s9 =	sadd.s32 $0xFFFFFEF7, lr;
	s5 =	simm.s32 $0xFFFFFFFF;
	p2 =	slt.u32 s8, $0xFFFFF086  }
0x1c: {  	p1 =	slt.u32 s9, $0xF7A;
	s5 =	simm.s32 @!p2 $0x0  }
0x1d: {  	s5 =	simm.s32 @p1 $0x1;
	p0 =	seq.s32 s7, s2  }
0x1e: {  	s7 =	smul.u32 @!p0 $0xF7A, s2;
	p2 =	seq.s32 @!p0 s5, $0x0  }
0x1f: {  	s9 =	smul.u32 $0xF7A, s1;
	s8 =	simm.s32 @!p0 $0x1BF5;
	p2 =	por !p2, p0  }
0x20: {  	[sflag:s8] =	ssyncset.s32 @!p0 $0xFFFFF086;
	s6 =	sadd.s32 @!p0 s3, s7;
	s7 =	simm.s32 @!p0 $0x108  }
0x21: {  	s3 =	sadd.s32 s3, s9;
	s6 =	sadd.s32 @!p0 $0x88, s6;
	s7 =	simm.s32 @p2 $0x1082  }
0x22: {  	[simem:s7], [sflag:s8] =	dma.local @!p0 [hbm:s6], $0xF7A  }
0x23: {  	s9 =	sor.u32 $0xD0000000, s2;
	s6 =	simm.s32 $0x108;
	_ =	swait.ge @!p0 [sflag:s8], $0x0  }
0x24: {  	s3 =	sadd.s32 $0x88, s3;
	s6 =	simm.s32 @!p1 $0x1082;
	[sflag:s4] =	ssyncset.s32 $0xFFFFF086  }
0x25: {  	[simem:s6], [sflag:s4] =	dma.local [hbm:s3], $0xF7A  }
0x26: {  	[smem:$0x3F99] =	sst s1;
	(tag) =	ssettag s2;
	_ =	strace s9  }
0x27: {  	s1 =	sld [smem:$0x3FA9]  }
0x28: {  	s2 =	sld [smem:$0x3FAA]  }
0x29: {  	s4 =	sld [smem:$0x3FAC]  }
0x2a: {  	p0 =	seq.s32 s5, $0x0;
	s5 =	sld [smem:$0x3FAD]  }
0x2b: {  	s6 =	sld [smem:$0x3FAE]  }
0x2c: {  	s7 =	sld [smem:$0x3FAF]  }
0x2d: {  	s3 =	simm.s32 $0x108;
	s8 =	sld [smem:$0x3FB0]  }
0x2e: {  	s3 =	simm.s32 @!p0 $0x1082;
	s9 =	sld [smem:$0x3FB1]  }
0x2f: {  	lr =	sadd.s32 s0, s3;
	s0 =	sld [smem:$0x3FA8]  }
0x30: {  	s3 =	sld [smem:$0x3FAB]  }
0x31: {  	[smem:$0x3FB4] =	sst s10  }
0x32: {  	s10 =	sld [smem:$0x3FB2];
	_ =	sdelay $0x3  }
0x33: {  	p0 =	seq.s32 s10, $0x1;
	s10 =	sld [smem:$0x3FB4];
	_ =	sdelay $0x3  }
0x34: {  	[smem:$0x3FB4] =	sst s10  }
0x35: {  	s10 =	sld [smem:$0x3FB3];
	_ =	sdelay $0x3  }
0x36: {  	p1 =	seq.s32 s10, $0x1;
	s10 =	sld [smem:$0x3FB4];
	_ =	sdelay $0x3  }
0x37: {  	[smem:$0x3FB4] =	sst s10  }
0x38: {  	s10 =	sld [smem:$0x3FB5]  }
0x39: {  	_ = 	snop;
	(pc) =	sbr.ind lr, $3  }
0x3a: {  	_ = 	snop  }
0x3b: {  	_ = 	snop  }
0x3c: {  	p2 =	seq.s32 s10, $0x1;
	s10 =	sld [smem:$0x3FB4]  }
0x3d: {  	_ =	shalt  }
0x3e: {  	_ =	shalt  }
0x3f: {  	_ =	shalt  }
0x40: {  	_ =	shalt  }
0x41: {  	_ =	shalt  }
0x42: {  	_ =	shalt  }
0x43: {  	_ =	shalt  }
0x44: {  	_ =	shalt  }
0x45: {  	_ =	shalt  }
0x46: {  	_ =	shalt  }
0x47: {  	_ =	shalt  }
0x48: {  	_ =	shalt  }
0x49: {  	_ =	shalt  }
0x4a: {  	_ =	shalt  }
0x4b: {  	_ =	shalt  }
0x4c: {  	_ =	shalt  }
0x4d: {  	_ =	shalt  }
0x4e: {  	_ =	shalt  }
0x4f: {  	_ =	shalt  }
0x50: {  	_ =	shalt  }
0x51: {  	_ =	shalt  }
0x52: {  	_ =	shalt  }
0x53: {  	_ =	shalt  }
0x54: {  	_ =	shalt  }
0x55: {  	_ =	shalt  }
0x56: {  	_ =	shalt  }
0x57: {  	_ =	shalt  }
0x58: {  	_ =	shalt  }
0x59: {  	_ =	shalt  }
0x5a: {  	_ =	shalt  }
0x5b: {  	_ =	shalt  }
0x5c: {  	_ =	shalt  }
0x5d: {  	_ =	shalt  }
0x5e: {  	_ =	shalt  }
0x5f: {  	_ =	shalt  }
0x60: {  	_ =	shalt  }
0x61: {  	_ =	shalt  }
0x62: {  	_ =	shalt  }
0x63: {  	_ =	shalt  }
0x64: {  	_ =	shalt  }
0x65: {  	_ =	shalt  }
0x66: {  	_ =	shalt  }
0x67: {  	_ =	shalt  }
0x68: {  	_ =	shalt  }
0x69: {  	_ =	shalt  }
0x6a: {  	_ =	shalt  }
0x6b: {  	_ =	shalt  }
0x6c: {  	_ =	shalt  }
0x6d: {  	_ =	shalt  }
0x6e: {  	_ =	shalt  }
0x6f: {  	_ =	shalt  }
0x70: {  	_ =	shalt  }
0x71: {  	_ =	shalt  }
0x72: {  	_ =	shalt  }
0x73: {  	_ =	shalt  }
0x74: {  	_ =	shalt  }
0x75: {  	_ =	shalt  }
0x76: {  	_ =	shalt  }
0x77: {  	_ =	shalt  }
0x78: {  	_ =	shalt  }
0x79: {  	_ =	shalt  }
0x7a: {  	_ =	shalt  }
0x7b: {  	_ =	shalt  }
0x7c: {  	_ =	shalt  }
0x7d: {  	_ =	shalt  }
0x7e: {  	_ =	shalt  }
0x7f: {  	_ =	shalt  }
0x80: {  	_ =	shalt  }
0x81: {  	_ =	shalt  }
0x82: {  	_ =	shalt  }
0x83: {  	_ =	shalt  }
0x84: {  	_ =	shalt  }
0x85: {  	_ =	shalt  }
0x86: {  	_ =	shalt  }
0x87: {  	_ =	shalt  }
.Lfunc_end0:
.L_simem_size_0:
called_computation_lowered:
.L_overlay_start_0:
0x88: {  	s2 =	sld [smem:$0x3FD9]  }
0x89: {  	s3 =	sld [smem:$0x3FFE];
	_ =	sdelay $0x1  }
0x8a: {  	s1 =	srdreg.scid  }
0x8b: {  	s0 =	sand.u32 $0x1, s1  }
0x8c: {  	s16 =	sshll.u32 s0, $0xA;
	s2 =	sadd.s32 s3, s2  }
0x8d: {  	s2 =	sadd.s32 s2, s16  }
0x8e: {  	[smem:$0x3FC0] =	sst s2  }
0x8f: {  	_ = 	snop  }
0x90: {  	(tm) =	ssettm $0x1  }
0x91: {  	s17 =	sld [smem:$0x3FFB];
	_ =	sdelay $0x3  }
0x92: {  	_ =	strace s17  }
0x93: {  	s2 =	sld [smem:$0x3FFC];
	_ =	sdelay $0x3  }
0x94: {  	_ =	strace s2  }
0x95: {  	s2 =	sld [smem:$0x3FFD];
	_ =	sdelay $0x3  }
0x96: {  	_ =	strace s2  }
0x97: {  	_ =	strace $0x8FFFFFFF  }
0x98: {  	s18 =	sld [smem:$0x3FDB];
	_ =	sdelay $0x1  }
0x99: {  	s19 =	simm.s32 $_scs_section_size  }
0x9a: {  	s4 =	simm.s32 $_size__tile_overlayer_lowered;
	s5 =	simm.s32 $_tile_overlayer_lowered  }
0x9b: {  	s22 =	simm.s32 $0x1BFF;
	s21 =	sshll.u32 s5, $0x1;
	s2 =	sadd.s32 s19, s18  }
0x9c: {  	s6 =	simm.s32 $0x0;
	s20 =	sshll.u32 s4, $0x1;
	s4 =	sadd.s32 s21, s2  }
0x9d: {  	[timem:s6], [sflag:s22] =	dma.local [hbm:s4], s20  }
0x9e: {  	_ =	swait.ge [sflag:s22], s20  }
0x9f: {  	s3 =	ssub.s32 $0x0, s20;
	[sflag:s22] =	ssyncset.done $0x0  }
0xa0: {  	[sflag:s22] =	ssyncadd.s32 s3;
	_ =	sdelay $0x1  }
0xa1: {  	s23 =	simm.s32 $0x1B8B  }
0xa2: {  	_ =	swait.ge [sflag:s23], $0x1  }
0xa3: {  	[sflag:s23] =	ssyncset.done $0x0  }
0xa4: {  	s25 =	simm.s32 $0x1B8E;
	s24 =	sld [smem:$0x3FFE];
	[sflag:s23] =	ssyncadd.s32 $0xFFFFFFFF  }
0xa5: {  	s26 =	simm.s32 $execute0_lowered;
	[smem:$0x3FD2] =	sst s25  }
0xa6: {  	s4 =	sshll.u32 s26, $0x1;
	_ =	strace $0x80000046;
	[dreg:$0x1] =	wrdreg $0xFFFFFFFF  }
0xa7: {  	s28 =	simm.s32 $_size_execute0_lowered;
	s2 =	sadd.s32 s2, s4;
	[dreg:$0x0] =	wrdreg $0x0  }
0xa8: {  	s4 =	sshll.u32 s28, $0x1;
	[dreg:$0x2] =	wrdreg s2  }
0xa9: {  	[dreg:$0x3] =	wrdreg s4  }
0xaa: {  	[dreg:$0x4] =	wrdreg $0xC0  }
0xab: {  	_ =	task [dreg:s6], $0x5FFFF  }
0xac: {  	[dreg:$0x1] =	wrdreg $0xFFFFFFFF  }
0xad: {  	[dreg:$0x0] =	wrdreg $0x60  }
0xae: {  	[dreg:$0x2] =	wrdreg s24  }
0xaf: {  	[dreg:$0x3] =	wrdreg $0x9  }
0xb0: {  	_ =	task.clear_ibuf [dreg:s6], $0x4FFFF;
	_ =	strace $0x90000046  }
0xb1: {  	s29 =	simm.s32 $0x9;
	_ =	strace $0x80000048  }
0xb2: {  	_ =	swait.ge [sflag:s29], $0x1  }
0xb3: {  	[sflag:s29] =	ssyncadd.s32 $0xFFFFFFFF  }
0xb4: {  	_ =	strace $0x90000048  }
0xb5: {  	_ =	sfence  }
0xb6: {  	s30 =	sld [smem:$0x0];
	_ =	sdelay $0x2  }
0xb7: {  	s31 =	sshll.u32 s1, $0xD;
	s1 =	sshrl.u32 s1, $0x2  }
0xb8: {  	s3 =	sand.u32 $0x4000, s31;
	s1 =	sadd.s32 s1, s30  }
0xb9: {  	s0 =	sor.u32 s3, s0;
	s1 =	sshll.u32 s1, $0x11  }
0xba: {  	s0 =	sor.u32 s1, s0  }
0xbb: {  	s0 =	sadd.s32 $0x8F2B, s0  }
0xbc: {  	[sflag:s0] =	ssyncadd.remote.s32 $0x1  }
0xbd: {  	_ =	sfence.sel $0xFFFF  }
0xbe: {  	[dreg:$0x0] =	wrdreg $0xFFFFFFFF;
	(pc) =	sbr.abs _section_cstart, $3  }
0xbf: {  	[dreg:$0x1] =	wrdreg $0xFFFFFFFF  }
0xc0: {  	_ =	task.clear_ibuf [dreg:s6], $0x2FFFF;
	_ =	strace $0x9FFFFFFF  }
0xc1: {  	(tm) =	ssettm $0x7FFFFFFF  }
tec
execute0_lowered:
.L_overlay_start_1:
0x0: {  	(tag) =	ssettag $0x1  }
0x1: {  	s4 =	rddreg [dreg:$0x0];
	s1 =	srdreg.scid  }
0x2: {  	s0 =	rddreg [dreg:$0x1];
	_ =	strace $0x80000047;
	s8 =	simm.s32 $0x2480  }
0x3: {  	s10 =	simm.s32 $0x0;
	s5 =	sand.u32 $0x1, s1;
	s2 =	sadd.s32 $0x2C00, s4  }
.Ltmp0:
0x4: {  	s1 =	stileid.u32;
	s6 =	ssub.s32 $0x2, s5;
	(pc) =	sbr.rel .LBB2_1-.Ltmp0, $4  }
0x5: {  	s3 =	sadd.s32 $0x2E00, s4;
	s31 =	sshll.u32 s1, $0x1;
	s7 =	sshrl.u32 s6, $0x1  }
0x6: {  	s4 =	sadd.s32 $0x3200, s4;
	s9 =	sor.u32 s5, s31;
	s6 =	ssub.s32 s6, s7  }
0x7: {  	v0 =	vlaneseq.u32;
	p0 =	seq.s32 s9, $0x1;
	s7 =	simm.s32 $0x1;
	p1 =	sne.s32 s9, $0x0  }
0x8: {  	v1 =	vmul.u32 $0x2, v0;
	s9 =	simm.s32 $0x1000;
	s5 =	smax.u32 s6, $0x1;
	s6 =	simm.s32 $0x0  }
.LBB2_11:
0x9: {  	s10 =	sadd.s32 $0x1, s10  }
0xa: {  	p2 =	sne.s32 s10, s5  }
.Ltmp1:
0xb: {  	_ = 	snop;
	(pc) =	sbr.rel @!p2 .LBB2_12-.Ltmp1, $1  }
0xc: {  	_ =	sdelay $0x3  }
.LBB2_1:
.Ltmp2:
0xd: {  	(pc) =	sbr.rel @p0 .LBB2_8-.Ltmp2, $1  }
0xe: {  	_ =	sdelay $0x3  }
.Ltmp3:
0xf: {  	(pc) =	sbr.rel @p1 .LBB2_11-.Ltmp3, $1  }
0x10: {  	_ =	sdelay $0x3  }
0x11: {  	s11 =	simm.s32 $0x0  }
0x12: {  	[tilespmem:s11], [sflag:$0x1] =	stream.linear.gather [hbm4b:s2+s11], $0x1000, $0x38;
	[tilespmem:$0x3480] =	vst v63  }
0x13: {  	_ =	swait.ge [sflag:s7], $0x1000  }
0x14: {  	v2 =	vor.u32 s11, v0;
	[sflag:s7] =	ssyncset.done $0x0  }
0x15: {  	s12 =	simm.s32 $0x1000;
	v2 =	vand.u32 $0x7FF, v2;
	[sflag:s7] =	ssyncadd.s32 $0xFFFFF000  }
0x16: {  	s13 =	simm.s32 $0x10;
	[tilespmem:s12+$0x0] =	vst v2  }
.LBB2_4:
0x17: {  	p2 =	sne.s32 s13, $0x1400  }
.Ltmp4:
0x18: {  	_ = 	snop;
	(pc) =	sbr.rel @p2 .LBB2_4-.Ltmp4, $4  }
0x19: {  	_ = 	snop  }
0x1a: {  	v2 =	vor.u32 s13, v0;
	s13 =	sadd.s32 $0x10, s13  }
0x1b: {  	s12 =	sadd.s32 $0x10, s12;
	v2 =	vand.u32 $0x7FF, v2  }
0x1c: {  	[tilespmem:s12+$0x0] =	vst v2  }
0x1d: {  	v2 =	vld [tilespmem:s11+$0x0];
	s12 =	simm.s32 $0x10;
	s13 =	simm.s32 $0x0  }
.LBB2_6:
0x1e: {  	p2 =	sne.s32 s12, $0xFF0;
	_ =	sdelay $0x3  }
.Ltmp5:
0x1f: {  	(pc) =	sbr.rel @p2 .LBB2_6-.Ltmp5, $4  }
0x20: {  	v3 =	vor.u32 s11, v0;
	s11 =	smov.u32 s12  }
0x21: {  	v3 =	vshrl.u32 v3, $0x1  }
0x22: {  	s13 =	sadd.s32 $0x10, s13;
	[tilespmem:v2+s9+$0x0] =	vst.idx.msk $0xffff, v3  }
0x23: {  	s12 =	sadd.s32 $0x10, s12;
	v2 =	vld [tilespmem:s13+$0x0]  }
0x24: {  	_ =	sdelay $0x5  }
0x25: {  	v3 =	vor.u32 s11, v0  }
0x26: {  	v3 =	vshrl.u32 v3, $0x1  }
.Ltmp6:
0x27: {  	[tilespmem:v2+s9+$0x0] =	vst.idx.msk $0xffff, v3;
	(pc) =	sbr.rel .LBB2_11-.Ltmp6, $4  }
0x28: {  	[hbm4b:s3+s6] =	stream.linear.scatter [tilespmem:s9], [sflag:$0x1], $0x1400, $0x38;
	[tilespmem:$0x3480] =	vst v63  }
0x29: {  	_ =	swait.ge [sflag:s7], $0x1400  }
0x2a: {  	[sflag:s7] =	ssyncset.done $0x0  }
0x2b: {  	[sflag:s7] =	ssyncadd.s32 $0xFFFFEC00  }
.LBB2_8:
0x2c: {  	s11 =	simm.s32 $0x0  }
0x2d: {  	v2 =	vmov s11  }
0x2e: {  	v3 =	vshll.u32 v2, $0x1  }
0x2f: {  	v3 =	vor.u32 v1, v3  }
0x30: {  	v2 =	vshrl.u32 v2, $0xB;
	v3 =	vand.u32 $0xFFE, v3  }
0x31: {  	v2 =	vor.u32 v2, v3  }
0x32: {  	[tilespmem:s11], [sflag:$0x1] =	stream.linear.gather [hbm4b:s2+s11], $0x1000, $0x38;
	[tilespmem:$0x3480] =	vst v63  }
0x33: {  	_ =	swait.ge [sflag:s7], $0x1000  }
0x34: {  	s31 =	simm.s32 $0x10;
	[sflag:s7] =	ssyncset.done $0x0  }
0x35: {  	[sflag:s7] =	ssyncadd.s32 $0xFFFFF000;
	v3 =	vmov s31  }
0x36: {  	v4 =	vshll.u32 v3, $0x1;
	v2 =	vld.idx.msk [tilespmem:v2+s6+$0x0], $0xffff  }
0x37: {  	v4 =	vor.u32 v1, v4  }
0x38: {  	v3 =	vshrl.u32 v3, $0xB;
	v4 =	vand.u32 $0xFFE, v4  }
0x39: {  	v4 =	vor.u32 v3, v4;
	_ =	sdelay $0x1  }
0x3a: {  	vm0 =	vgt.s32 v2, $0x13FF  }
0x3b: {  	s11 =	simm.s32 $0x2480;
	v2 =	vsel vm0, $0x0, v2  }
0x3c: {  	s12 =	simm.s32 $0x20;
	[tilespmem:s11+$0x0] =	vst v2  }
0x3d: {  	v3 =	vmov s12;
	s12 =	simm.s32 $0x30;
	v2 =	vld.idx.msk [tilespmem:v4+s6+$0x0], $0xffff  }
.LBB2_9:
0x3e: {  	p2 =	sne.s32 s12, $0xFF0;
	v4 =	vshll.u32 v3, $0x1  }
0x3f: {  	v4 =	vor.u32 v1, v4  }
0x40: {  	v3 =	vshrl.u32 v3, $0xB;
	v4 =	vand.u32 $0xFFE, v4  }
0x41: {  	v4 =	vor.u32 v3, v4  }
.Ltmp7:
0x42: {  	(pc) =	sbr.rel @p2 .LBB2_9-.Ltmp7, $4  }
0x43: {  	vm0 =	vgt.s32 v2, $0x13FF  }
0x44: {  	s11 =	sadd.s32 $0x10, s11;
	v2 =	vsel vm0, $0x0, v2  }
0x45: {  	[tilespmem:s11+$0x0] =	vst v2  }
0x46: {  	v3 =	vmov s12;
	s12 =	sadd.s32 $0x10, s12;
	v2 =	vld.idx.msk [tilespmem:v4+s6+$0x0], $0xffff  }
0x47: {  	v4 =	vshll.u32 v3, $0x1  }
0x48: {  	v4 =	vor.u32 v1, v4  }
0x49: {  	v3 =	vshrl.u32 v3, $0xB;
	v4 =	vand.u32 $0xFFE, v4  }
0x4a: {  	v3 =	vor.u32 v3, v4;
	_ =	sdelay $0x1  }
0x4b: {  	vm0 =	vgt.s32 v2, $0x13FF  }
0x4c: {  	s11 =	sadd.s32 $0x10, s11;
	v2 =	vsel vm0, $0x0, v2  }
0x4d: {  	[tilespmem:s11+$0x0] =	vst v2  }
0x4e: {  	v2 =	vld.idx.msk [tilespmem:v3+s6+$0x0], $0xffff;
	_ =	sdelay $0x4  }
0x4f: {  	vm15 =	vgt.s32 v2, $0x13FF  }
0x50: {  	s11 =	sadd.s32 $0x10, s11;
	v2 =	vsel vm15, $0x0, v2  }
.Ltmp8:
0x51: {  	[tilespmem:s11+$0x0] =	vst v2;
	(pc) =	sbr.rel .LBB2_11-.Ltmp8, $4  }
0x52: {  	[hbm4b:s4+s6] =	stream.linear.scatter [tilespmem:s8], [sflag:$0x1], $0x1000, $0x38;
	[tilespmem:$0x3480] =	vst v63  }
0x53: {  	_ =	swait.ge [sflag:s7], $0x1000  }
0x54: {  	[sflag:s7] =	ssyncset.done $0x0  }
0x55: {  	[sflag:s7] =	ssyncadd.s32 $0xFFFFF000  }
.LBB2_12:
0x56: {  	_ =	sfence.sel $0x180000  }
0x57: {  	[bflag:$0x0] =	sbarrier.arrive $0xFFFF  }
0x58: {  	p0 =	sne.s32 s1, $0x0;
	_ =	strace $0x90000047  }
0x59: {  	s0 =	sadd.s32 @!p0 $0x100000, s0;
	[bflag:$0x2] =	sbarrier.arrive $0xFFFF  }
0x5a: {  	[sflag:s0] =	ssyncadd.tile.s32 @!p0 $0x1;
	_ =	shalt  }
.Lfunc_end2:
_tile_overlayer_lowered:
.L_overlay_start_2:
0x5b: {  	(tag) =	ssettag $0x2  }
0x5c: {  	s0 =	rddreg [dreg:$0x0];
	s2 =	stileid.u32  }
0x5d: {  	s1 =	rddreg [dreg:$0x1];
	p0 =	sne.s32 s2, $0x0  }
0x5e: {  	s3 =	rddreg [dreg:$0x2];
	[bflag:$0x3] =	sbarrier.arrive $0xFFFF;
	s2 =	simm.s32 @!p0 $0x1C01  }
0x5f: {  	[timem:s3], [sflag:s2] =	dma.local @!p0 [hbm:s0], s1  }
0x60: {  	s0 =	simm.s32 @!p0 $0x1  }
0x61: {  	_ =	swait.ge @!p0 [sflag:s0], s1  }
0x62: {  	s1 =	ssub.s32 @!p0 $0x0, s1;
	[sflag:s0] =	ssyncset.done @!p0 $0x0  }
0x63: {  	[sflag:s0] =	ssyncadd.s32 @!p0 s1  }
0x64: {  	[bflag:$0x3] =	sbarrier.arrive $0xFFFF  }
0x65: {  	_ =	shalt  }

// kernel: kernel.13.cloned.1.call-start
scs
__scs_entry_jumppad:
0x0: {  	(pc) =	sbr.rel $0x88, $3  }
0x1: {  	(tag) =	ssettag $0x0;
	lr =	simm.s32 $0x1  }
0x2: {  	[smem:$0x3F99] =	sst lr;
	_ =	strace $0xD0000000  }
0x3: {  	_ = 	snop  }
0x4: {  	_ = 	snop  }
0x5: {  	_ = 	snop  }
0x6: {  	_ = 	snop  }
0x7: {  	_ = 	snop  }
__scs_overlays_trampoline_lowered:
0x8: {  	[smem:$0x3FA8] =	sst s0  }
0x9: {  	[smem:$0x3FA9] =	sst s1  }
0xa: {  	[smem:$0x3FAA] =	sst s2  }
0xb: {  	[smem:$0x3FAB] =	sst s3  }
0xc: {  	[smem:$0x3FAC] =	sst s4  }
0xd: {  	[smem:$0x3FAD] =	sst s5  }
0xe: {  	[smem:$0x3FAE] =	sst s6  }
0xf: {  	[smem:$0x3FAF] =	sst s7  }
0x10: {  	[smem:$0x3FB0] =	sst s8  }
0x11: {  	[smem:$0x3FB1] =	sst s9;
	s0 =	simm.s32 @!p0 $0x0  }
0x12: {  	s1 =	sld [smem:$0x3F97];
	s0 =	simm.s32 @p0 $0x1  }
0x13: {  	[smem:$0x3FB2] =	sst s0;
	s0 =	simm.s32 @!p1 $0x0  }
0x14: {  	s2 =	sld [smem:$0x3F96];
	s0 =	simm.s32 @p1 $0x1  }
0x15: {  	[smem:$0x3FB3] =	sst s0;
	s0 =	simm.s32 @!p2 $0x0  }
0x16: {  	s3 =	sld [smem:$0x3FDB];
	s0 =	simm.s32 @p2 $0x1  }
0x17: {  	s4 =	simm.s32 $0x1BF5;
	[smem:$0x3FB5] =	sst s0  }
0x18: {  	s0 =	sld [smem:$0x3F98];
	_ =	swait.ge [sflag:s4], $0x0  }
0x19: {  	s7 =	sld [smem:$0x3F99]  }
0x1a: {  	s8 =	sadd.s32 $0xFFFFE003, lr  }
0x1b: {  	s9 =	sadd.s32 $0xFFFFFEF7, lr;
	s5 =	simm.s32 $0xFFFFFFFF;
	p2 =	slt.u32 s8, $0xFFFFF086  }
0x1c: {  	p1 =	slt.u32 s9, $0xF7A;
	s5 =	simm.s32 @!p2 $0x0  }
0x1d: {  	s5 =	simm.s32 @p1 $0x1;
	p0 =	seq.s32 s7, s2  }
0x1e: {  	s7 =	smul.u32 @!p0 $0xF7A, s2;
	p2 =	seq.s32 @!p0 s5, $0x0  }
0x1f: {  	s9 =	smul.u32 $0xF7A, s1;
	s8 =	simm.s32 @!p0 $0x1BF5;
	p2 =	por !p2, p0  }
0x20: {  	[sflag:s8] =	ssyncset.s32 @!p0 $0xFFFFF086;
	s6 =	sadd.s32 @!p0 s3, s7;
	s7 =	simm.s32 @!p0 $0x108  }
0x21: {  	s3 =	sadd.s32 s3, s9;
	s6 =	sadd.s32 @!p0 $0x88, s6;
	s7 =	simm.s32 @p2 $0x1082  }
0x22: {  	[simem:s7], [sflag:s8] =	dma.local @!p0 [hbm:s6], $0xF7A  }
0x23: {  	s9 =	sor.u32 $0xD0000000, s2;
	s6 =	simm.s32 $0x108;
	_ =	swait.ge @!p0 [sflag:s8], $0x0  }
0x24: {  	s3 =	sadd.s32 $0x88, s3;
	s6 =	simm.s32 @!p1 $0x1082;
	[sflag:s4] =	ssyncset.s32 $0xFFFFF086  }
0x25: {  	[simem:s6], [sflag:s4] =	dma.local [hbm:s3], $0xF7A  }
0x26: {  	[smem:$0x3F99] =	sst s1;
	(tag) =	ssettag s2;
	_ =	strace s9  }
0x27: {  	s1 =	sld [smem:$0x3FA9]  }
0x28: {  	s2 =	sld [smem:$0x3FAA]  }
0x29: {  	s4 =	sld [smem:$0x3FAC]  }
0x2a: {  	p0 =	seq.s32 s5, $0x0;
	s5 =	sld [smem:$0x3FAD]  }
0x2b: {  	s6 =	sld [smem:$0x3FAE]  }
0x2c: {  	s7 =	sld [smem:$0x3FAF]  }
0x2d: {  	s3 =	simm.s32 $0x108;
	s8 =	sld [smem:$0x3FB0]  }
0x2e: {  	s3 =	simm.s32 @!p0 $0x1082;
	s9 =	sld [smem:$0x3FB1]  }
0x2f: {  	lr =	sadd.s32 s0, s3;
	s0 =	sld [smem:$0x3FA8]  }
0x30: {  	s3 =	sld [smem:$0x3FAB]  }
0x31: {  	[smem:$0x3FB4] =	sst s10  }
0x32: {  	s10 =	sld [smem:$0x3FB2];
	_ =	sdelay $0x3  }
0x33: {  	p0 =	seq.s32 s10, $0x1;
	s10 =	sld [smem:$0x3FB4];
	_ =	sdelay $0x3  }
0x34: {  	[smem:$0x3FB4] =	sst s10  }
0x35: {  	s10 =	sld [smem:$0x3FB3];
	_ =	sdelay $0x3  }
0x36: {  	p1 =	seq.s32 s10, $0x1;
	s10 =	sld [smem:$0x3FB4];
	_ =	sdelay $0x3  }
0x37: {  	[smem:$0x3FB4] =	sst s10  }
0x38: {  	s10 =	sld [smem:$0x3FB5]  }
0x39: {  	_ = 	snop;
	(pc) =	sbr.ind lr, $3  }
0x3a: {  	_ = 	snop  }
0x3b: {  	_ = 	snop  }
0x3c: {  	p2 =	seq.s32 s10, $0x1;
	s10 =	sld [smem:$0x3FB4]  }
0x3d: {  	_ =	shalt  }
0x3e: {  	_ =	shalt  }
0x3f: {  	_ =	shalt  }
0x40: {  	_ =	shalt  }
0x41: {  	_ =	shalt  }
0x42: {  	_ =	shalt  }
0x43: {  	_ =	shalt  }
0x44: {  	_ =	shalt  }
0x45: {  	_ =	shalt  }
0x46: {  	_ =	shalt  }
0x47: {  	_ =	shalt  }
0x48: {  	_ =	shalt  }
0x49: {  	_ =	shalt  }
0x4a: {  	_ =	shalt  }
0x4b: {  	_ =	shalt  }
0x4c: {  	_ =	shalt  }
0x4d: {  	_ =	shalt  }
0x4e: {  	_ =	shalt  }
0x4f: {  	_ =	shalt  }
0x50: {  	_ =	shalt  }
0x51: {  	_ =	shalt  }
0x52: {  	_ =	shalt  }
0x53: {  	_ =	shalt  }
0x54: {  	_ =	shalt  }
0x55: {  	_ =	shalt  }
0x56: {  	_ =	shalt  }
0x57: {  	_ =	shalt  }
0x58: {  	_ =	shalt  }
0x59: {  	_ =	shalt  }
0x5a: {  	_ =	shalt  }
0x5b: {  	_ =	shalt  }
0x5c: {  	_ =	shalt  }
0x5d: {  	_ =	shalt  }
0x5e: {  	_ =	shalt  }
0x5f: {  	_ =	shalt  }
0x60: {  	_ =	shalt  }
0x61: {  	_ =	shalt  }
0x62: {  	_ =	shalt  }
0x63: {  	_ =	shalt  }
0x64: {  	_ =	shalt  }
0x65: {  	_ =	shalt  }
0x66: {  	_ =	shalt  }
0x67: {  	_ =	shalt  }
0x68: {  	_ =	shalt  }
0x69: {  	_ =	shalt  }
0x6a: {  	_ =	shalt  }
0x6b: {  	_ =	shalt  }
0x6c: {  	_ =	shalt  }
0x6d: {  	_ =	shalt  }
0x6e: {  	_ =	shalt  }
0x6f: {  	_ =	shalt  }
0x70: {  	_ =	shalt  }
0x71: {  	_ =	shalt  }
0x72: {  	_ =	shalt  }
0x73: {  	_ =	shalt  }
0x74: {  	_ =	shalt  }
0x75: {  	_ =	shalt  }
0x76: {  	_ =	shalt  }
0x77: {  	_ =	shalt  }
0x78: {  	_ =	shalt  }
0x79: {  	_ =	shalt  }
0x7a: {  	_ =	shalt  }
0x7b: {  	_ =	shalt  }
0x7c: {  	_ =	shalt  }
0x7d: {  	_ =	shalt  }
0x7e: {  	_ =	shalt  }
0x7f: {  	_ =	shalt  }
0x80: {  	_ =	shalt  }
0x81: {  	_ =	shalt  }
0x82: {  	_ =	shalt  }
0x83: {  	_ =	shalt  }
0x84: {  	_ =	shalt  }
0x85: {  	_ =	shalt  }
0x86: {  	_ =	shalt  }
0x87: {  	_ =	shalt  }
.Lfunc_end0:
.L_simem_size_0:
called_computation.1_lowered:
.L_overlay_start_0:
0x88: {  	s2 =	sld [smem:$0x3FD9]  }
0x89: {  	s3 =	sld [smem:$0x3FFE];
	_ =	sdelay $0x1  }
0x8a: {  	s1 =	srdreg.scid  }
0x8b: {  	s0 =	sand.u32 $0x1, s1  }
0x8c: {  	s14 =	sshll.u32 s0, $0xA;
	s2 =	sadd.s32 s3, s2  }
0x8d: {  	s2 =	sadd.s32 s2, s14  }
0x8e: {  	[smem:$0x3FC0] =	sst s2  }
0x8f: {  	_ = 	snop  }
0x90: {  	s2 =	sld [smem:$0x3FD0];
	_ =	sdelay $0x2  }
0x91: {  	s15 =	simm.s32 $0xA;
	s4 =	simm.s32 $0x10  }
0x92: {  	[smem:s4], [sflag:s15] =	dma.local [hbm:s2], $0x1  }
0x93: {  	_ =	swait.eq [sflag:s15], $0x1  }
0x94: {  	[sflag:s15] =	ssyncset.done $0x0  }
0x95: {  	[sflag:s15] =	ssyncadd.s32 $0xFFFFFFFF  }
0x96: {  	s16 =	sld [smem:$0x10];
	(tm) =	ssettm $0x1  }
0x97: {  	s17 =	sld [smem:$0x3FFB];
	_ =	sdelay $0x3  }
0x98: {  	_ =	strace s17  }
0x99: {  	s3 =	sld [smem:$0x3FFC];
	_ =	sdelay $0x3  }
0x9a: {  	_ =	strace s3  }
0x9b: {  	s3 =	sld [smem:$0x3FFD];
	_ =	sdelay $0x3  }
0x9c: {  	_ =	strace s3  }
0x9d: {  	_ =	strace $0x8FFFFFFF  }
0x9e: {  	s18 =	sld [smem:$0x3FDB];
	_ =	sdelay $0x1  }
0x9f: {  	s19 =	simm.s32 $_scs_section_size  }
0xa0: {  	s5 =	simm.s32 $_size__tile_overlayer_lowered;
	s6 =	simm.s32 $_tile_overlayer_lowered  }
0xa1: {  	s22 =	simm.s32 $0x1BFF;
	s21 =	sshll.u32 s6, $0x1;
	s3 =	sadd.s32 s19, s18  }
0xa2: {  	s7 =	simm.s32 $0x0;
	s20 =	sshll.u32 s5, $0x1;
	s5 =	sadd.s32 s21, s3  }
0xa3: {  	[timem:s7], [sflag:s22] =	dma.local [hbm:s5], s20  }
0xa4: {  	_ =	swait.ge [sflag:s22], s20  }
0xa5: {  	s4 =	ssub.s32 $0x0, s20;
	[sflag:s22] =	ssyncset.done $0x0  }
0xa6: {  	[sflag:s22] =	ssyncadd.s32 s4;
	_ =	sdelay $0x1  }
0xa7: {  	s23 =	simm.s32 $0x1B8B  }
0xa8: {  	_ =	swait.ge [sflag:s23], $0x1  }
0xa9: {  	[sflag:s23] =	ssyncset.done $0x0  }
0xaa: {  	s25 =	simm.s32 $0x1B8E;
	s24 =	sld [smem:$0x3FFE];
	[sflag:s23] =	ssyncadd.s32 $0xFFFFFFFF  }
0xab: {  	s26 =	simm.s32 $execute0_lowered;
	[smem:$0x3FD2] =	sst s25  }
0xac: {  	s5 =	sshll.u32 s26, $0x1;
	_ =	strace $0x80000049;
	[dreg:$0x1] =	wrdreg $0xFFFFFFFF  }
0xad: {  	s28 =	simm.s32 $_size_execute0_lowered;
	s3 =	sadd.s32 s3, s5;
	[dreg:$0x0] =	wrdreg $0x0  }
0xae: {  	s5 =	sshll.u32 s28, $0x1;
	[dreg:$0x2] =	wrdreg s3  }
0xaf: {  	[dreg:$0x3] =	wrdreg s5  }
0xb0: {  	[dreg:$0x4] =	wrdreg $0xC0  }
0xb1: {  	_ =	task [dreg:s7], $0x5FFFF  }
0xb2: {  	[dreg:$0x1] =	wrdreg $0xFFFFFFFF  }
0xb3: {  	[dreg:$0x0] =	wrdreg $0x60  }
0xb4: {  	[dreg:$0x2] =	wrdreg s16  }
0xb5: {  	[dreg:$0x3] =	wrdreg s24  }
0xb6: {  	[dreg:$0x4] =	wrdreg $0x9  }
0xb7: {  	_ =	task.clear_ibuf [dreg:s7], $0x5FFFF;
	_ =	strace $0x90000049  }
0xb8: {  	s29 =	simm.s32 $0x9;
	_ =	strace $0x8000004B  }
0xb9: {  	_ =	swait.ge [sflag:s29], $0x1  }
0xba: {  	[sflag:s29] =	ssyncadd.s32 $0xFFFFFFFF  }
0xbb: {  	_ =	strace $0x9000004B  }
0xbc: {  	_ =	sfence  }
0xbd: {  	s30 =	sld [smem:$0x0];
	_ =	sdelay $0x2  }
0xbe: {  	s31 =	sshll.u32 s1, $0xD;
	s1 =	sshrl.u32 s1, $0x2  }
0xbf: {  	s3 =	sand.u32 $0x4000, s31;
	s1 =	sadd.s32 s1, s30  }
0xc0: {  	s0 =	sor.u32 s3, s0;
	s1 =	sshll.u32 s1, $0x11  }
0xc1: {  	s0 =	sor.u32 s1, s0  }
0xc2: {  	s0 =	sadd.s32 $0x8F2B, s0  }
0xc3: {  	[sflag:s0] =	ssyncadd.remote.s32 $0x1  }
0xc4: {  	_ =	sfence.sel $0xFFFF  }
0xc5: {  	[dreg:$0x0] =	wrdreg $0xFFFFFFFF;
	(pc) =	sbr.abs _section_cstart, $3  }
0xc6: {  	[dreg:$0x1] =	wrdreg $0xFFFFFFFF  }
0xc7: {  	_ =	task.clear_ibuf [dreg:s7], $0x2FFFF;
	_ =	strace $0x9FFFFFFF  }
0xc8: {  	(tm) =	ssettm $0x7FFFFFFF  }
0xc9: {  	_ =	shalt  }
tec
execute0_lowered:
.L_overlay_start_1:
0x0: {  	(tag) =	ssettag $0x1  }
0x1: {  	s1 =	srdreg.scid;
	s0 =	stileid.u32  }
0x2: {  	s1 =	sand.u32 $0x1, s1;
	s2 =	sshll.u32 s0, $0x1  }
0x3: {  	s6 =	rddreg [dreg:$0x1];
	s3 =	sor.u32 s1, s2  }
0x4: {  	s2 =	rddreg [dreg:$0x0];
	s5 =	smul.u32 $0xA0, s3;
	s3 =	simm.s32 $0x0  }
0x5: {  	s19 =	simm.s32 $0x80;
	[smem:$0x7FF] =	sst s3  }
0x6: {  	s20 =	simm.s32 $0x100;
	_ =	strace $0x8000004A;
	[dreg:$0x9] =	wrdreg s19  }
0x7: {  	s21 =	simm.s32 $0x180;
	[dreg:$0xa] =	wrdreg s20  }
0x8: {  	s22 =	simm.s32 $0xA00;
	[dreg:$0xb] =	wrdreg s21  }
0x9: {  	s23 =	simm.s32 $0xE00;
	[dreg:$0xc] =	wrdreg s22  }
0xa: {  	s24 =	simm.s32 $0x1600;
	s25 =	simm.s32 $0x1A00;
	[dreg:$0xd] =	wrdreg s23  }
0xb: {  	s26 =	simm.s32 $0x2200;
	s12 =	simm.s32 $0x5200;
	[dreg:$0xe] =	wrdreg s24  }
0xc: {  	s13 =	simm.s32 $0x5600;
	s28 =	simm.s32 $0x4;
	[dreg:$0xf] =	wrdreg s25  }
0xd: {  	s29 =	simm.s32 $0x5;
	s0 =	simm.s32 $0x2600;
	[dreg:$0x10] =	wrdreg s26  }
0xe: {  	s30 =	simm.s32 $0x6;
	s31 =	simm.s32 $0x7;
	[dreg:$0x11] =	wrdreg s0  }
0xf: {  	s7 =	sadd.s32 $0x2E00, s6;
	s6 =	sadd.s32 $0x3400, s6;
	[dreg:$0x17] =	wrdreg s12  }
0x10: {  	s1 =	ssub.s32 $0x2, s1;
	[dreg:$0x18] =	wrdreg s13;
	s19 =	simm.s32 $0x7600  }
0x11: {  	s4 =	sadd.s32 $0x28, s5;
	s20 =	simm.s32 $0x8200;
	[dreg:$0x1d] =	wrdreg s19  }
0x12: {  	s9 =	sshrl.u32 s5, $0x3;
	s21 =	simm.s32 $0x8600;
	[dreg:$0x1e] =	wrdreg s20  }
0x13: {  	s5 =	sadd.s32 $0x78, s5;
	s22 =	simm.s32 $0x8E00;
	[dreg:$0x1f] =	wrdreg s21  }
0x14: {  	s23 =	simm.s32 $0x9200;
	s24 =	simm.s32 $0x9A00;
	[smem:$0x7F9] =	sst s22  }
0x15: {  	s25 =	simm.s32 $0x9E00;
	s26 =	simm.s32 $0xA600;
	[smem:$0x7FA] =	sst s23  }
0x16: {  	s13 =	simm.s32 $0xB200;
	s8 =	sshrl.u32 s4, $0x3;
	[smem:$0x7FB] =	sst s24  }
0x17: {  	s4 =	sadd.s32 s7, s9;
	s11 =	sshrl.u32 s5, $0x3;
	[smem:$0x7FC] =	sst s25  }
0x18: {  	s15 =	smul.u32 $0x180, s9;
	s9 =	simm.s32 $0x3A00;
	[smem:$0x7FD] =	sst s26  }
0x19: {  	s19 =	simm.s32 $0xD600;
	s20 =	simm.s32 $0xDA00;
	s21 =	simm.s32 $0xE200  }
0x1a: {  	s22 =	simm.s32 $0xE600;
	s10 =	sadd.s32 s7, s8;
	[dreg:$0x14] =	wrdreg s9  }
0x1b: {  	s23 =	simm.s32 $0xEE00;
	s14 =	sadd.s32 $0xA, s4;
	[dreg:$0x3] =	wrdreg s10  }
0x1c: {  	s24 =	simm.s32 $0x1;
	s7 =	sadd.s32 s7, s11;
	[dreg:$0x4] =	wrdreg s14  }
0x1d: {  	s17 =	smul.u32 $0x180, s11;
	s11 =	simm.s32 $0x4A00;
	[dreg:$0x5] =	wrdreg s7  }
0x1e: {  	s25 =	simm.s32 $0x2;
	s7 =	simm.s32 $0x2E00;
	[dreg:$0x16] =	wrdreg s11  }
0x1f: {  	s26 =	simm.s32 $0x3;
	s10 =	simm.s32 $0x4600;
	[dreg:$0x12] =	wrdreg s7  }
0x20: {  	s8 =	smul.u32 $0x180, s8;
	s14 =	simm.s32 $0x5E00;
	[dreg:$0x15] =	wrdreg s10  }
0x21: {  	s5 =	sadd.s32 s6, s15;
	s15 =	simm.s32 $0x6200;
	[dreg:$0x19] =	wrdreg s14  }
0x22: {  	s9 =	simm.s32 $0x200;
	s16 =	sadd.s32 s6, s8;
	[dreg:$0x1a] =	wrdreg s15  }
0x23: {  	s11 =	simm.s32 $0x7A00;
	s18 =	sadd.s32 $0xF00, s5;
	[dreg:$0x6] =	wrdreg s16  }
0x24: {  	s6 =	sadd.s32 s6, s17;
	s8 =	simm.s32 $0x3200;
	[dreg:$0x7] =	wrdreg s18  }
0x25: {  	s17 =	simm.s32 $0x6E00;
	s10 =	simm.s32 $0x3E00;
	[dreg:$0x8] =	wrdreg s6  }
0x26: {  	s14 =	simm.s32 $0xB600;
	s15 =	simm.s32 $0xBE00;
	[dreg:$0x13] =	wrdreg s8  }
0x27: {  	s16 =	simm.s32 $0x6A00;
	s18 =	sshrl.u32 s1, $0x1;
	[dreg:$0x1c] =	wrdreg s17  }
0x28: {  	v2 =	vlaneseq.u32;
	s6 =	sadd.s32 $0x100, s2;
	s8 =	simm.s32 $0x9;
	s17 =	simm.s32 $0xCA00  }
0x29: {  	vm0 =	vmmov $0xffff;
	vm1 =	vmmov $0xff;
	v1 =	vshrl.u32 v2, $0x3;
	[dreg:$0x1b] =	wrdreg s16;
	s1 =	ssub.s32 s1, s18;
	s16 =	simm.s32 $0xC200  }
0x2a: {  	v0 =	vand.u32 $0x7, v2;
	v2 =	vor.u32 $0x8, v2;
	v1 =	vmul.u32 $0x8, v1;
	s18 =	simm.s32 $0xCE00;
	s7 =	smax.u32 s1, $0x1;
	s1 =	simm.s32 $0x8  }
.LBB2_1:
0x2b: {  	[tilespmem:s3], [sflag:$0x9] =	stream.linear.gather [hbm4b:s4+s3], $0x28, $0x38;
	[tilespmem:$0xF200] =	vst v63  }
0x2c: {  	_ =	swait.ge [sflag:s8], $0x28  }
0x2d: {  	s0 =	rddreg [dreg:$0x3];
	[sflag:s8] =	ssyncset.done $0x0  }
0x2e: {  	s12 =	rddreg [dreg:$0x9];
	[sflag:s8] =	ssyncadd.s32 $0xFFFFFFD8  }
0x2f: {  	[tilespmem:s12], [sflag:$0x9] =	stream.linear.gather [hbm4b:s0+s3], $0x28, $0x38;
	[tilespmem:$0xF200] =	vst v63  }
0x30: {  	_ =	swait.ge [sflag:s8], $0x28  }
0x31: {  	s0 =	rddreg [dreg:$0x4];
	[sflag:s8] =	ssyncset.done $0x0  }
0x32: {  	s12 =	rddreg [dreg:$0xa];
	[sflag:s8] =	ssyncadd.s32 $0xFFFFFFD8  }
0x33: {  	[tilespmem:s12], [sflag:$0x9] =	stream.linear.gather [hbm4b:s0+s3], $0x28, $0x38;
	[tilespmem:$0xF200] =	vst v63  }
0x34: {  	_ =	swait.ge [sflag:s8], $0x28  }
0x35: {  	s0 =	rddreg [dreg:$0x5];
	[sflag:s8] =	ssyncset.done $0x0  }
0x36: {  	s12 =	rddreg [dreg:$0xb];
	[sflag:s8] =	ssyncadd.s32 $0xFFFFFFD8  }
0x37: {  	[tilespmem:s12], [sflag:$0x9] =	stream.linear.gather [hbm4b:s0+s3], $0x28, $0x38;
	[tilespmem:$0xF200] =	vst v63  }
0x38: {  	_ =	swait.ge [sflag:s8], $0x28  }
0x39: {  	[sflag:s8] =	ssyncset.done $0x0  }
0x3a: {  	[sflag:s8] =	ssyncadd.s32 $0xFFFFFFD8  }
0x3b: {  	v3 =	vld [tilespmem:$0x0];
	_ =	sdelay $0x4  }
0x3c: {  	v4 =	vshrl.u32 v3, $0x3  }
0x3d: {  	v4 =	vmul.u32 $0x18, v4  }
0x3e: {  	v3 =	vand.u32 $0x7, v3  }
0x3f: {  	v3 =	vor.u32 v3, v4  }
0x40: {  	v4 =	vperm.xlane v3, v0;
	_ =	sdelay $0x1  }
0x41: {  	v4 =	vadd.s32 v1, v4;
	_ =	sdelay $0x1  }
0x42: {  	v3 =	vperm.xlane v3, v2;
	_ =	sdelay $0x1  }
0x43: {  	v3 =	vadd.s32 v1, v3  }
0x44: {  	[tilespmem:s9], [sflag:$0x1] =	stream.indirect_vreg.gather [hbm4b:s2+s3], $0x80, v4, vm0, $0xb8;
	[tilespmem:$0xF200] =	vst v63  }
0x45: {  	s0 =	rddreg [dreg:$0xc]  }
0x46: {  	[tilespmem:s0], [sflag:$0x1] =	stream.indirect_vreg.gather [hbm4b:s6+s3], $0x80, v4, vm1, $0xb8;
	[tilespmem:$0xF200] =	vst v63  }
0x47: {  	s12 =	rddreg [dreg:$0xd]  }
0x48: {  	[tilespmem:s12], [sflag:$0x1] =	stream.indirect_vreg.gather [hbm4b:s2+s3], $0x80, v3, vm0, $0xb8;
	[tilespmem:$0xF200] =	vst v63  }
0x49: {  	s0 =	rddreg [dreg:$0xe]  }
0x4a: {  	[tilespmem:s0], [sflag:$0x1] =	stream.indirect_vreg.gather [hbm4b:s6+s3], $0x80, v3, vm1, $0xb8;
	[tilespmem:$0xF200] =	vst v63  }
0x4b: {  	v3 =	vld [tilespmem:$0x10];
	_ =	sdelay $0x4  }
0x4c: {  	v53 =	vshrl.u32 v3, $0x3  }
0x4d: {  	v4 =	vmul.u32 $0x18, v53  }
0x4e: {  	v3 =	vand.u32 $0x7, v3  }
0x4f: {  	v3 =	vor.u32 v3, v4  }
0x50: {  	v4 =	vperm.xlane v3, v0;
	_ =	sdelay $0x1  }
0x51: {  	v4 =	vadd.s32 v1, v4;
	_ =	sdelay $0x1  }
0x52: {  	v3 =	vperm.xlane v3, v2;
	_ =	sdelay $0x1  }
0x53: {  	s0 =	rddreg [dreg:$0xf];
	v3 =	vadd.s32 v1, v3  }
0x54: {  	[tilespmem:s0], [sflag:$0x1] =	stream.indirect_vreg.gather [hbm4b:s2+s3], $0x80, v4, vm0, $0xb8;
	[tilespmem:$0xF200] =	vst v63  }
0x55: {  	s12 =	rddreg [dreg:$0x10]  }
0x56: {  	[tilespmem:s12], [sflag:$0x1] =	stream.indirect_vreg.gather [hbm4b:s6+s3], $0x80, v4, vm1, $0xb8;
	[tilespmem:$0xF200] =	vst v63  }
0x57: {  	s0 =	rddreg [dreg:$0x11]  }
0x58: {  	[tilespmem:s0], [sflag:$0x1] =	stream.indirect_vreg.gather [hbm4b:s2+s3], $0x80, v3, vm0, $0xb8;
	[tilespmem:$0xF200] =	vst v63  }
0x59: {  	s12 =	rddreg [dreg:$0x12]  }
0x5a: {  	[tilespmem:s12], [sflag:$0x1] =	stream.indirect_vreg.gather [hbm4b:s6+s3], $0x80, v3, vm1, $0xb8;
	[tilespmem:$0xF200] =	vst v63  }
0x5b: {  	v3 =	vld.msk [tilespmem:$0x20], $0xff;
	_ =	sdelay $0x4  }
0x5c: {  	v54 =	vshrl.u32 v3, $0x3  }
0x5d: {  	v4 =	vmul.u32 $0x18, v54  }
0x5e: {  	v3 =	vand.u32 $0x7, v3  }
0x5f: {  	v3 =	vor.u32 v3, v4  }
0x60: {  	v3 =	vperm.xlane v3, v0;
	_ =	sdelay $0x1  }
0x61: {  	v3 =	vadd.s32 v1, v3;
	_ =	sdelay $0x3  }
0x62: {  	s0 =	rddreg [dreg:$0x13]  }
0x63: {  	[tilespmem:s0], [sflag:$0x1] =	stream.indirect_vreg.gather [hbm4b:s2+s3], $0x80, v3, vm0, $0xb8;
	[tilespmem:$0xF200] =	vst v63  }
0x64: {  	s12 =	rddreg [dreg:$0x14]  }
0x65: {  	[tilespmem:s12], [sflag:$0x1] =	stream.indirect_vreg.gather [hbm4b:s6+s3], $0x80, v3, vm1, $0xb8;
	[tilespmem:$0xF200] =	vst v63  }
0x66: {  	v3 =	vld [tilespmem:$0x80];
	_ =	sdelay $0x4  }
0x67: {  	v55 =	vshrl.u32 v3, $0x3  }
0x68: {  	v4 =	vmul.u32 $0x18, v55  }
0x69: {  	v3 =	vand.u32 $0x7, v3  }
0x6a: {  	v3 =	vor.u32 v3, v4  }
0x6b: {  	v4 =	vperm.xlane v3, v0;
	_ =	sdelay $0x1  }
0x6c: {  	v4 =	vadd.s32 v1, v4;
	_ =	sdelay $0x1  }
0x6d: {  	v3 =	vperm.xlane v3, v2;
	_ =	sdelay $0x1  }
0x6e: {  	v3 =	vadd.s32 v1, v3  }
0x6f: {  	[tilespmem:s10], [sflag:$0x2] =	stream.indirect_vreg.gather [hbm4b:s2+s3], $0x80, v4, vm0, $0xb8;
	[tilespmem:$0xF200] =	vst v63  }
0x70: {  	s0 =	rddreg [dreg:$0x15]  }
0x71: {  	[tilespmem:s0], [sflag:$0x2] =	stream.indirect_vreg.gather [hbm4b:s6+s3], $0x80, v4, vm1, $0xb8;
	[tilespmem:$0xF200] =	vst v63  }
0x72: {  	s12 =	rddreg [dreg:$0x16]  }
0x73: {  	[tilespmem:s12], [sflag:$0x2] =	stream.indirect_vreg.gather [hbm4b:s2+s3], $0x80, v3, vm0, $0xb8;
	[tilespmem:$0xF200] =	vst v63  }
0x74: {  	s0 =	rddreg [dreg:$0x17]  }
0x75: {  	[tilespmem:s0], [sflag:$0x2] =	stream.indirect_vreg.gather [hbm4b:s6+s3], $0x80, v3, vm1, $0xb8;
	[tilespmem:$0xF200] =	vst v63  }
0x76: {  	v3 =	vld [tilespmem:$0x90];
	_ =	sdelay $0x4  }
0x77: {  	v56 =	vshrl.u32 v3, $0x3  }
0x78: {  	v4 =	vmul.u32 $0x18, v56  }
0x79: {  	v3 =	vand.u32 $0x7, v3  }
0x7a: {  	v3 =	vor.u32 v3, v4  }
0x7b: {  	v4 =	vperm.xlane v3, v0;
	_ =	sdelay $0x1  }
0x7c: {  	v4 =	vadd.s32 v1, v4;
	_ =	sdelay $0x1  }
0x7d: {  	v3 =	vperm.xlane v3, v2;
	_ =	sdelay $0x1  }
0x7e: {  	s0 =	rddreg [dreg:$0x18];
	v3 =	vadd.s32 v1, v3  }
0x7f: {  	[tilespmem:s0], [sflag:$0x2] =	stream.indirect_vreg.gather [hbm4b:s2+s3], $0x80, v4, vm0, $0xb8;
	[tilespmem:$0xF200] =	vst v63  }
0x80: {  	s12 =	rddreg [dreg:$0x19]  }
0x81: {  	[tilespmem:s12], [sflag:$0x2] =	stream.indirect_vreg.gather [hbm4b:s6+s3], $0x80, v4, vm1, $0xb8;
	[tilespmem:$0xF200] =	vst v63  }
0x82: {  	s0 =	rddreg [dreg:$0x1a]  }
0x83: {  	[tilespmem:s0], [sflag:$0x2] =	stream.indirect_vreg.gather [hbm4b:s2+s3], $0x80, v3, vm0, $0xb8;
	[tilespmem:$0xF200] =	vst v63  }
0x84: {  	s12 =	rddreg [dreg:$0x1b]  }
0x85: {  	[tilespmem:s12], [sflag:$0x2] =	stream.indirect_vreg.gather [hbm4b:s6+s3], $0x80, v3, vm1, $0xb8;
	[tilespmem:$0xF200] =	vst v63  }
0x86: {  	v3 =	vld.msk [tilespmem:$0xA0], $0xff;
	_ =	sdelay $0x4  }
0x87: {  	v57 =	vshrl.u32 v3, $0x3  }
0x88: {  	v4 =	vmul.u32 $0x18, v57  }
0x89: {  	v3 =	vand.u32 $0x7, v3  }
0x8a: {  	v3 =	vor.u32 v3, v4  }
0x8b: {  	v3 =	vperm.xlane v3, v0;
	_ =	sdelay $0x1  }
0x8c: {  	v3 =	vadd.s32 v1, v3;
	_ =	sdelay $0x3  }
0x8d: {  	s0 =	rddreg [dreg:$0x1c]  }
0x8e: {  	[tilespmem:s0], [sflag:$0x2] =	stream.indirect_vreg.gather [hbm4b:s2+s3], $0x80, v3, vm0, $0xb8;
	[tilespmem:$0xF200] =	vst v63  }
0x8f: {  	s12 =	rddreg [dreg:$0x1d]  }
0x90: {  	[tilespmem:s12], [sflag:$0x2] =	stream.indirect_vreg.gather [hbm4b:s6+s3], $0x80, v3, vm1, $0xb8;
	[tilespmem:$0xF200] =	vst v63  }
0x91: {  	v3 =	vld [tilespmem:$0x100];
	_ =	sdelay $0x4  }
0x92: {  	v58 =	vshrl.u32 v3, $0x3  }
0x93: {  	v4 =	vmul.u32 $0x18, v58  }
0x94: {  	v3 =	vand.u32 $0x7, v3  }
0x95: {  	v3 =	vor.u32 v3, v4  }
0x96: {  	v4 =	vperm.xlane v3, v0;
	_ =	sdelay $0x1  }
0x97: {  	v4 =	vadd.s32 v1, v4;
	_ =	sdelay $0x1  }
0x98: {  	v3 =	vperm.xlane v3, v2;
	_ =	sdelay $0x1  }
0x99: {  	s0 =	rddreg [dreg:$0x1e];
	v3 =	vadd.s32 v1, v3  }
0x9a: {  	[tilespmem:s11], [sflag:$0x3] =	stream.indirect_vreg.gather [hbm4b:s2+s3], $0x80, v4, vm0, $0xb8;
	[tilespmem:$0xF200] =	vst v63  }
0x9b: {  	s12 =	rddreg [dreg:$0x1f]  }
0x9c: {  	[tilespmem:s0], [sflag:$0x3] =	stream.indirect_vreg.gather [hbm4b:s6+s3], $0x80, v4, vm1, $0xb8;
	[tilespmem:$0xF200] =	vst v63  }
0x9d: {  	s0 =	sld [smem:$0x7F9]  }
0x9e: {  	[tilespmem:s12], [sflag:$0x3] =	stream.indirect_vreg.gather [hbm4b:s2+s3], $0x80, v3, vm0, $0xb8;
	[tilespmem:$0xF200] =	vst v63  }
0x9f: {  	_ = 	snop  }
0xa0: {  	[tilespmem:s0], [sflag:$0x3] =	stream.indirect_vreg.gather [hbm4b:s6+s3], $0x80, v3, vm1, $0xb8;
	[tilespmem:$0xF200] =	vst v63  }
0xa1: {  	v3 =	vld [tilespmem:$0x110];
	_ =	sdelay $0x4  }
0xa2: {  	v59 =	vshrl.u32 v3, $0x3  }
0xa3: {  	v4 =	vmul.u32 $0x18, v59  }
0xa4: {  	v3 =	vand.u32 $0x7, v3  }
0xa5: {  	v3 =	vor.u32 v3, v4  }
0xa6: {  	v4 =	vperm.xlane v3, v0;
	_ =	sdelay $0x1  }
0xa7: {  	v4 =	vadd.s32 v1, v4;
	_ =	sdelay $0x1  }
0xa8: {  	s0 =	sld [smem:$0x7FA];
	v3 =	vperm.xlane v3, v2;
	_ =	sdelay $0x1  }
0xa9: {  	s12 =	sld [smem:$0x7FB];
	v3 =	vadd.s32 v1, v3  }
0xaa: {  	[tilespmem:s0], [sflag:$0x3] =	stream.indirect_vreg.gather [hbm4b:s2+s3], $0x80, v4, vm0, $0xb8;
	[tilespmem:$0xF200] =	vst v63  }
0xab: {  	s0 =	sld [smem:$0x7FC]  }
0xac: {  	[tilespmem:s12], [sflag:$0x3] =	stream.indirect_vreg.gather [hbm4b:s6+s3], $0x80, v4, vm1, $0xb8;
	[tilespmem:$0xF200] =	vst v63  }
0xad: {  	s12 =	sld [smem:$0x7FD]  }
0xae: {  	[tilespmem:s0], [sflag:$0x3] =	stream.indirect_vreg.gather [hbm4b:s2+s3], $0x80, v3, vm0, $0xb8;
	[tilespmem:$0xF200] =	vst v63  }
0xaf: {  	_ = 	snop  }
0xb0: {  	[tilespmem:s12], [sflag:$0x3] =	stream.indirect_vreg.gather [hbm4b:s6+s3], $0x80, v3, vm1, $0xb8;
	[tilespmem:$0xF200] =	vst v63  }
0xb1: {  	v3 =	vld.msk [tilespmem:$0x120], $0xff;
	_ =	sdelay $0x4  }
0xb2: {  	v60 =	vshrl.u32 v3, $0x3  }
0xb3: {  	v4 =	vmul.u32 $0x18, v60  }
0xb4: {  	v3 =	vand.u32 $0x7, v3  }
0xb5: {  	v3 =	vor.u32 v3, v4  }
0xb6: {  	v3 =	vperm.xlane v3, v0;
	_ =	sdelay $0x1  }
0xb7: {  	v3 =	vadd.s32 v1, v3;
	_ =	sdelay $0x3  }
0xb8: {  	s12 =	simm.s32 $0xAA00  }
0xb9: {  	[tilespmem:s12], [sflag:$0x3] =	stream.indirect_vreg.gather [hbm4b:s2+s3], $0x80, v3, vm0, $0xb8;
	[tilespmem:$0xF200] =	vst v63  }
0xba: {  	_ = 	snop  }
0xbb: {  	[tilespmem:s13], [sflag:$0x3] =	stream.indirect_vreg.gather [hbm4b:s6+s3], $0x80, v3, vm1, $0xb8;
	[tilespmem:$0xF200] =	vst v63  }
0xbc: {  	v3 =	vld [tilespmem:$0x180];
	_ =	sdelay $0x4  }
0xbd: {  	v61 =	vshrl.u32 v3, $0x3  }
0xbe: {  	v4 =	vmul.u32 $0x18, v61  }
0xbf: {  	v3 =	vand.u32 $0x7, v3  }
0xc0: {  	v3 =	vor.u32 v3, v4  }
0xc1: {  	v4 =	vperm.xlane v3, v0;
	_ =	sdelay $0x1  }
0xc2: {  	v4 =	vadd.s32 v1, v4;
	_ =	sdelay $0x1  }
0xc3: {  	v3 =	vperm.xlane v3, v2;
	_ =	sdelay $0x1  }
0xc4: {  	v3 =	vadd.s32 v1, v3  }
0xc5: {  	[tilespmem:s14], [sflag:$0x4] =	stream.indirect_vreg.gather [hbm4b:s2+s3], $0x80, v4, vm0, $0xb8;
	[tilespmem:$0xF200] =	vst v63  }
0xc6: {  	_ = 	snop  }
0xc7: {  	[tilespmem:s15], [sflag:$0x4] =	stream.indirect_vreg.gather [hbm4b:s6+s3], $0x80, v4, vm1, $0xb8;
	[tilespmem:$0xF200] =	vst v63  }
0xc8: {  	_ = 	snop  }
0xc9: {  	[tilespmem:s16], [sflag:$0x4] =	stream.indirect_vreg.gather [hbm4b:s2+s3], $0x80, v3, vm0, $0xb8;
	[tilespmem:$0xF200] =	vst v63  }
0xca: {  	_ = 	snop  }
0xcb: {  	[tilespmem:s17], [sflag:$0x4] =	stream.indirect_vreg.gather [hbm4b:s6+s3], $0x80, v3, vm1, $0xb8;
	[tilespmem:$0xF200] =	vst v63  }
0xcc: {  	v3 =	vld [tilespmem:$0x190];
	_ =	sdelay $0x4  }
0xcd: {  	v62 =	vshrl.u32 v3, $0x3  }
0xce: {  	v4 =	vmul.u32 $0x18, v62  }
0xcf: {  	v3 =	vand.u32 $0x7, v3  }
0xd0: {  	v3 =	vor.u32 v3, v4  }
0xd1: {  	v4 =	vperm.xlane v3, v0;
	_ =	sdelay $0x1  }
0xd2: {  	v4 =	vadd.s32 v1, v4;
	_ =	sdelay $0x1  }
0xd3: {  	v3 =	vperm.xlane v3, v2;
	_ =	sdelay $0x1  }
0xd4: {  	v3 =	vadd.s32 v1, v3  }
0xd5: {  	[tilespmem:s18], [sflag:$0x4] =	stream.indirect_vreg.gather [hbm4b:s2+s3], $0x80, v4, vm0, $0xb8;
	[tilespmem:$0xF200] =	vst v63  }
0xd6: {  	_ = 	snop  }
0xd7: {  	[tilespmem:s19], [sflag:$0x4] =	stream.indirect_vreg.gather [hbm4b:s6+s3], $0x80, v4, vm1, $0xb8;
	[tilespmem:$0xF200] =	vst v63  }
0xd8: {  	_ = 	snop  }
0xd9: {  	[tilespmem:s20], [sflag:$0x4] =	stream.indirect_vreg.gather [hbm4b:s2+s3], $0x80, v3, vm0, $0xb8;
	[tilespmem:$0xF200] =	vst v63  }
0xda: {  	_ = 	snop  }
0xdb: {  	[tilespmem:s21], [sflag:$0x4] =	stream.indirect_vreg.gather [hbm4b:s6+s3], $0x80, v3, vm1, $0xb8;
	[tilespmem:$0xF200] =	vst v63  }
0xdc: {  	v3 =	vld.msk [tilespmem:$0x1A0], $0xff;
	_ =	sdelay $0x4  }
0xdd: {  	v63 =	vshrl.u32 v3, $0x3  }
0xde: {  	v4 =	vmul.u32 $0x18, v63  }
0xdf: {  	v3 =	vand.u32 $0x7, v3  }
0xe0: {  	v3 =	vor.u32 v3, v4  }
0xe1: {  	v3 =	vperm.xlane v3, v0;
	_ =	sdelay $0x1  }
0xe2: {  	v3 =	vadd.s32 v1, v3;
	_ =	sdelay $0x4  }
0xe3: {  	[tilespmem:s22], [sflag:$0x4] =	stream.indirect_vreg.gather [hbm4b:s2+s3], $0x80, v3, vm0, $0xb8;
	[tilespmem:$0xF200] =	vst v63  }
0xe4: {  	_ = 	snop  }
0xe5: {  	[tilespmem:s23], [sflag:$0x4] =	stream.indirect_vreg.gather [hbm4b:s6+s3], $0x80, v3, vm1, $0xb8;
	[tilespmem:$0xF200] =	vst v63  }
0xe6: {  	_ =	swait.ge [sflag:s24], $0x3C00  }
0xe7: {  	[sflag:s24] =	ssyncset.done $0x0  }
0xe8: {  	[sflag:s24] =	ssyncadd.s32 $0xFFFFC400  }
0xe9: {  	[hbm4b:s5+s3] =	stream.linear.scatter [tilespmem:s9], [sflag:$0x5], $0x3C00, $0x38;
	[tilespmem:$0xF200] =	vst v63  }
0xea: {  	_ =	swait.ge [sflag:s25], $0x3C00  }
0xeb: {  	[sflag:s25] =	ssyncset.done $0x0  }
0xec: {  	s12 =	rddreg [dreg:$0x6];
	[sflag:s25] =	ssyncadd.s32 $0xFFFFC400  }
0xed: {  	[hbm4b:s12+s3] =	stream.linear.scatter [tilespmem:s10], [sflag:$0x6], $0x3C00, $0x38;
	[tilespmem:$0xF200] =	vst v63  }
0xee: {  	_ =	swait.ge [sflag:s26], $0x3C00  }
0xef: {  	[sflag:s26] =	ssyncset.done $0x0  }
0xf0: {  	s12 =	rddreg [dreg:$0x7];
	[sflag:s26] =	ssyncadd.s32 $0xFFFFC400  }
0xf1: {  	[hbm4b:s12+s3] =	stream.linear.scatter [tilespmem:s11], [sflag:$0x7], $0x3C00, $0x38;
	[tilespmem:$0xF200] =	vst v63  }
0xf2: {  	_ =	swait.ge [sflag:s28], $0x3C00  }
0xf3: {  	[sflag:s28] =	ssyncset.done $0x0  }
0xf4: {  	s12 =	rddreg [dreg:$0x8];
	[sflag:s28] =	ssyncadd.s32 $0xFFFFC400  }
0xf5: {  	[hbm4b:s12+s3] =	stream.linear.scatter [tilespmem:s14], [sflag:$0x8], $0x3C00, $0x38;
	[tilespmem:$0xF200] =	vst v63  }
0xf6: {  	_ =	swait.ge [sflag:s29], $0x3C00  }
0xf7: {  	[sflag:s29] =	ssyncset.done $0x0  }
0xf8: {  	[sflag:s29] =	ssyncadd.s32 $0xFFFFC400  }
0xf9: {  	_ =	swait.ge [sflag:s30], $0x3C00  }
0xfa: {  	[sflag:s30] =	ssyncset.done $0x0  }
0xfb: {  	[sflag:s30] =	ssyncadd.s32 $0xFFFFC400  }
0xfc: {  	p0 =	sne.s32 s7, $0x1;
	_ =	swait.ge [sflag:s31], $0x3C00  }
.Ltmp0:
0xfd: {  	[sflag:s31] =	ssyncset.done $0x0;
	(pc) =	sbr.rel @p0 .LBB2_1-.Ltmp0, $4  }
0xfe: {  	[sflag:s31] =	ssyncadd.s32 $0xFFFFC400  }
0xff: {  	_ =	swait.ge [sflag:s1], $0x3C00  }
0x100: {  	[sflag:s1] =	ssyncset.done $0x0  }
0x101: {  	s7 =	sadd.s32 $0xFFFFFFFF, s7;
	[sflag:s1] =	ssyncadd.s32 $0xFFFFC400  }
0x102: {  	_ =	sfence.sel $0x180000  }
0x103: {  	[bflag:$0x0] =	sbarrier.arrive $0xFFFF  }
0x104: {  	_ =	strace $0x9000004A  }
0x105: {  	s0 =	stileid.u32;
	[bflag:$0x2] =	sbarrier.arrive $0xFFFF  }
0x106: {  	p0 =	sne.s32 s0, $0x0;
	s0 =	rddreg [dreg:$0x2]  }
0x107: {  	s0 =	sadd.s32 @!p0 $0x100000, s0  }
0x108: {  	[sflag:s0] =	ssyncadd.tile.s32 @!p0 $0x1;
	_ =	shalt  }
.Lfunc_end2:
_tile_overlayer_lowered:
.L_overlay_start_2:
0x109: {  	(tag) =	ssettag $0x2  }
0x10a: {  	s0 =	rddreg [dreg:$0x0];
	s2 =	stileid.u32  }
0x10b: {  	s1 =	rddreg [dreg:$0x1];
	p0 =	sne.s32 s2, $0x0  }
0x10c: {  	s3 =	rddreg [dreg:$0x2];
	[bflag:$0x3] =	sbarrier.arrive $0xFFFF;
	s2 =	simm.s32 @!p0 $0x1C09  }
0x10d: {  	[timem:s3], [sflag:s2] =	dma.local @!p0 [hbm:s0], s1  }
0x10e: {  	s0 =	simm.s32 @!p0 $0x9  }
0x10f: {  	_ =	swait.ge @!p0 [sflag:s0], s1  }
0x110: {  	s1 =	ssub.s32 @!p0 $0x0, s1;
	[sflag:s0] =	ssyncset.done @!p0 $0x0  }
0x111: {  	[sflag:s0] =	ssyncadd.s32 @!p0 s1  }
0x112: {  	[bflag:$0x3] =	sbarrier.arrive $0xFFFF  }
0x113: {  	_ =	shalt  }

// kernel: kernel.16.cloned.1.call-start
scs
__scs_entry_jumppad:
0x0: {  	(pc) =	sbr.rel $0x88, $3  }
0x1: {  	(tag) =	ssettag $0x0;
	lr =	simm.s32 $0x1  }
0x2: {  	[smem:$0x3F99] =	sst lr;
	_ =	strace $0xD0000000  }
0x3: {  	_ = 	snop  }
0x4: {  	_ = 	snop  }
0x5: {  	_ = 	snop  }
0x6: {  	_ = 	snop  }
0x7: {  	_ = 	snop  }
__scs_overlays_trampoline_lowered:
0x8: {  	[smem:$0x3FA8] =	sst s0  }
0x9: {  	[smem:$0x3FA9] =	sst s1  }
0xa: {  	[smem:$0x3FAA] =	sst s2  }
0xb: {  	[smem:$0x3FAB] =	sst s3  }
0xc: {  	[smem:$0x3FAC] =	sst s4  }
0xd: {  	[smem:$0x3FAD] =	sst s5  }
0xe: {  	[smem:$0x3FAE] =	sst s6  }
0xf: {  	[smem:$0x3FAF] =	sst s7  }
0x10: {  	[smem:$0x3FB0] =	sst s8  }
0x11: {  	[smem:$0x3FB1] =	sst s9;
	s0 =	simm.s32 @!p0 $0x0  }
0x12: {  	s1 =	sld [smem:$0x3F97];
	s0 =	simm.s32 @p0 $0x1  }
0x13: {  	[smem:$0x3FB2] =	sst s0;
	s0 =	simm.s32 @!p1 $0x0  }
0x14: {  	s2 =	sld [smem:$0x3F96];
	s0 =	simm.s32 @p1 $0x1  }
0x15: {  	[smem:$0x3FB3] =	sst s0;
	s0 =	simm.s32 @!p2 $0x0  }
0x16: {  	s3 =	sld [smem:$0x3FDB];
	s0 =	simm.s32 @p2 $0x1  }
0x17: {  	s4 =	simm.s32 $0x1BF5;
	[smem:$0x3FB5] =	sst s0  }
0x18: {  	s0 =	sld [smem:$0x3F98];
	_ =	swait.ge [sflag:s4], $0x0  }
0x19: {  	s7 =	sld [smem:$0x3F99]  }
0x1a: {  	s8 =	sadd.s32 $0xFFFFE003, lr  }
0x1b: {  	s9 =	sadd.s32 $0xFFFFFEF7, lr;
	s5 =	simm.s32 $0xFFFFFFFF;
	p2 =	slt.u32 s8, $0xFFFFF086  }
0x1c: {  	p1 =	slt.u32 s9, $0xF7A;
	s5 =	simm.s32 @!p2 $0x0  }
0x1d: {  	s5 =	simm.s32 @p1 $0x1;
	p0 =	seq.s32 s7, s2  }
0x1e: {  	s7 =	smul.u32 @!p0 $0xF7A, s2;
	p2 =	seq.s32 @!p0 s5, $0x0  }
0x1f: {  	s9 =	smul.u32 $0xF7A, s1;
	s8 =	simm.s32 @!p0 $0x1BF5;
	p2 =	por !p2, p0  }
0x20: {  	[sflag:s8] =	ssyncset.s32 @!p0 $0xFFFFF086;
	s6 =	sadd.s32 @!p0 s3, s7;
	s7 =	simm.s32 @!p0 $0x108  }
0x21: {  	s3 =	sadd.s32 s3, s9;
	s6 =	sadd.s32 @!p0 $0x88, s6;
	s7 =	simm.s32 @p2 $0x1082  }
0x22: {  	[simem:s7], [sflag:s8] =	dma.local @!p0 [hbm:s6], $0xF7A  }
0x23: {  	s9 =	sor.u32 $0xD0000000, s2;
	s6 =	simm.s32 $0x108;
	_ =	swait.ge @!p0 [sflag:s8], $0x0  }
0x24: {  	s3 =	sadd.s32 $0x88, s3;
	s6 =	simm.s32 @!p1 $0x1082;
	[sflag:s4] =	ssyncset.s32 $0xFFFFF086  }
0x25: {  	[simem:s6], [sflag:s4] =	dma.local [hbm:s3], $0xF7A  }
0x26: {  	[smem:$0x3F99] =	sst s1;
	(tag) =	ssettag s2;
	_ =	strace s9  }
0x27: {  	s1 =	sld [smem:$0x3FA9]  }
0x28: {  	s2 =	sld [smem:$0x3FAA]  }
0x29: {  	s4 =	sld [smem:$0x3FAC]  }
0x2a: {  	p0 =	seq.s32 s5, $0x0;
	s5 =	sld [smem:$0x3FAD]  }
0x2b: {  	s6 =	sld [smem:$0x3FAE]  }
0x2c: {  	s7 =	sld [smem:$0x3FAF]  }
0x2d: {  	s3 =	simm.s32 $0x108;
	s8 =	sld [smem:$0x3FB0]  }
0x2e: {  	s3 =	simm.s32 @!p0 $0x1082;
	s9 =	sld [smem:$0x3FB1]  }
0x2f: {  	lr =	sadd.s32 s0, s3;
	s0 =	sld [smem:$0x3FA8]  }
0x30: {  	s3 =	sld [smem:$0x3FAB]  }
0x31: {  	[smem:$0x3FB4] =	sst s10  }
0x32: {  	s10 =	sld [smem:$0x3FB2];
	_ =	sdelay $0x3  }
0x33: {  	p0 =	seq.s32 s10, $0x1;
	s10 =	sld [smem:$0x3FB4];
	_ =	sdelay $0x3  }
0x34: {  	[smem:$0x3FB4] =	sst s10  }
0x35: {  	s10 =	sld [smem:$0x3FB3];
	_ =	sdelay $0x3  }
0x36: {  	p1 =	seq.s32 s10, $0x1;
	s10 =	sld [smem:$0x3FB4];
	_ =	sdelay $0x3  }
0x37: {  	[smem:$0x3FB4] =	sst s10  }
0x38: {  	s10 =	sld [smem:$0x3FB5]  }
0x39: {  	_ = 	snop;
	(pc) =	sbr.ind lr, $3  }
0x3a: {  	_ = 	snop  }
0x3b: {  	_ = 	snop  }
0x3c: {  	p2 =	seq.s32 s10, $0x1;
	s10 =	sld [smem:$0x3FB4]  }
0x3d: {  	_ =	shalt  }
0x3e: {  	_ =	shalt  }
0x3f: {  	_ =	shalt  }
0x40: {  	_ =	shalt  }
0x41: {  	_ =	shalt  }
0x42: {  	_ =	shalt  }
0x43: {  	_ =	shalt  }
0x44: {  	_ =	shalt  }
0x45: {  	_ =	shalt  }
0x46: {  	_ =	shalt  }
0x47: {  	_ =	shalt  }
0x48: {  	_ =	shalt  }
0x49: {  	_ =	shalt  }
0x4a: {  	_ =	shalt  }
0x4b: {  	_ =	shalt  }
0x4c: {  	_ =	shalt  }
0x4d: {  	_ =	shalt  }
0x4e: {  	_ =	shalt  }
0x4f: {  	_ =	shalt  }
0x50: {  	_ =	shalt  }
0x51: {  	_ =	shalt  }
0x52: {  	_ =	shalt  }
0x53: {  	_ =	shalt  }
0x54: {  	_ =	shalt  }
0x55: {  	_ =	shalt  }
0x56: {  	_ =	shalt  }
0x57: {  	_ =	shalt  }
0x58: {  	_ =	shalt  }
0x59: {  	_ =	shalt  }
0x5a: {  	_ =	shalt  }
0x5b: {  	_ =	shalt  }
0x5c: {  	_ =	shalt  }
0x5d: {  	_ =	shalt  }
0x5e: {  	_ =	shalt  }
0x5f: {  	_ =	shalt  }
0x60: {  	_ =	shalt  }
0x61: {  	_ =	shalt  }
0x62: {  	_ =	shalt  }
0x63: {  	_ =	shalt  }
0x64: {  	_ =	shalt  }
0x65: {  	_ =	shalt  }
0x66: {  	_ =	shalt  }
0x67: {  	_ =	shalt  }
0x68: {  	_ =	shalt  }
0x69: {  	_ =	shalt  }
0x6a: {  	_ =	shalt  }
0x6b: {  	_ =	shalt  }
0x6c: {  	_ =	shalt  }
0x6d: {  	_ =	shalt  }
0x6e: {  	_ =	shalt  }
0x6f: {  	_ =	shalt  }
0x70: {  	_ =	shalt  }
0x71: {  	_ =	shalt  }
0x72: {  	_ =	shalt  }
0x73: {  	_ =	shalt  }
0x74: {  	_ =	shalt  }
0x75: {  	_ =	shalt  }
0x76: {  	_ =	shalt  }
0x77: {  	_ =	shalt  }
0x78: {  	_ =	shalt  }
0x79: {  	_ =	shalt  }
0x7a: {  	_ =	shalt  }
0x7b: {  	_ =	shalt  }
0x7c: {  	_ =	shalt  }
0x7d: {  	_ =	shalt  }
0x7e: {  	_ =	shalt  }
0x7f: {  	_ =	shalt  }
0x80: {  	_ =	shalt  }
0x81: {  	_ =	shalt  }
0x82: {  	_ =	shalt  }
0x83: {  	_ =	shalt  }
0x84: {  	_ =	shalt  }
0x85: {  	_ =	shalt  }
0x86: {  	_ =	shalt  }
0x87: {  	_ =	shalt  }
.Lfunc_end0:
.L_simem_size_0:
called_computation.2_lowered:
.L_overlay_start_0:
0x88: {  	s2 =	sld [smem:$0x3FD9]  }
0x89: {  	s3 =	sld [smem:$0x3FFE];
	_ =	sdelay $0x1  }
0x8a: {  	s1 =	srdreg.scid  }
0x8b: {  	s0 =	sand.u32 $0x1, s1  }
0x8c: {  	s14 =	sshll.u32 s0, $0xA;
	s2 =	sadd.s32 s3, s2  }
0x8d: {  	s2 =	sadd.s32 s2, s14  }
0x8e: {  	[smem:$0x3FC0] =	sst s2  }
0x8f: {  	_ = 	snop  }
0x90: {  	s2 =	sld [smem:$0x3FD0];
	_ =	sdelay $0x2  }
0x91: {  	s15 =	simm.s32 $0xA;
	s4 =	simm.s32 $0x10  }
0x92: {  	[smem:s4], [sflag:s15] =	dma.local [hbm:s2], $0x1  }
0x93: {  	_ =	swait.eq [sflag:s15], $0x1  }
0x94: {  	[sflag:s15] =	ssyncset.done $0x0  }
0x95: {  	[sflag:s15] =	ssyncadd.s32 $0xFFFFFFFF  }
0x96: {  	s16 =	sld [smem:$0x10];
	(tm) =	ssettm $0x1  }
0x97: {  	s17 =	sld [smem:$0x3FFB];
	_ =	sdelay $0x3  }
0x98: {  	_ =	strace s17  }
0x99: {  	s3 =	sld [smem:$0x3FFC];
	_ =	sdelay $0x3  }
0x9a: {  	_ =	strace s3  }
0x9b: {  	s3 =	sld [smem:$0x3FFD];
	_ =	sdelay $0x3  }
0x9c: {  	_ =	strace s3  }
0x9d: {  	_ =	strace $0x8FFFFFFF  }
0x9e: {  	s18 =	sld [smem:$0x3FDB];
	_ =	sdelay $0x1  }
0x9f: {  	s19 =	simm.s32 $_scs_section_size  }
0xa0: {  	s5 =	simm.s32 $_size__tile_overlayer_lowered;
	s6 =	simm.s32 $_tile_overlayer_lowered  }
0xa1: {  	s22 =	simm.s32 $0x1BFF;
	s21 =	sshll.u32 s6, $0x1;
	s3 =	sadd.s32 s19, s18  }
0xa2: {  	s7 =	simm.s32 $0x0;
	s20 =	sshll.u32 s5, $0x1;
	s5 =	sadd.s32 s21, s3  }
0xa3: {  	[timem:s7], [sflag:s22] =	dma.local [hbm:s5], s20  }
0xa4: {  	_ =	swait.ge [sflag:s22], s20  }
0xa5: {  	s4 =	ssub.s32 $0x0, s20;
	[sflag:s22] =	ssyncset.done $0x0  }
0xa6: {  	[sflag:s22] =	ssyncadd.s32 s4;
	_ =	sdelay $0x1  }
0xa7: {  	s23 =	simm.s32 $0x1B8B  }
0xa8: {  	_ =	swait.ge [sflag:s23], $0x1  }
0xa9: {  	[sflag:s23] =	ssyncset.done $0x0  }
0xaa: {  	s25 =	simm.s32 $0x1B8E;
	s24 =	sld [smem:$0x3FFE];
	[sflag:s23] =	ssyncadd.s32 $0xFFFFFFFF  }
0xab: {  	s26 =	simm.s32 $execute0_lowered;
	[smem:$0x3FD2] =	sst s25  }
0xac: {  	s5 =	sshll.u32 s26, $0x1;
	_ =	strace $0x8000004C;
	[dreg:$0x1] =	wrdreg $0xFFFFFFFF  }
0xad: {  	s28 =	simm.s32 $_size_execute0_lowered;
	s3 =	sadd.s32 s3, s5;
	[dreg:$0x0] =	wrdreg $0x0  }
0xae: {  	s5 =	sshll.u32 s28, $0x1;
	[dreg:$0x2] =	wrdreg s3  }
0xaf: {  	[dreg:$0x3] =	wrdreg s5  }
0xb0: {  	[dreg:$0x4] =	wrdreg $0xC0  }
0xb1: {  	_ =	task [dreg:s7], $0x5FFFF  }
0xb2: {  	[dreg:$0x1] =	wrdreg $0xFFFFFFFF  }
0xb3: {  	[dreg:$0x0] =	wrdreg $0x60  }
0xb4: {  	[dreg:$0x2] =	wrdreg s24  }
0xb5: {  	[dreg:$0x3] =	wrdreg s16  }
0xb6: {  	[dreg:$0x4] =	wrdreg $0x9  }
0xb7: {  	_ =	task.clear_ibuf [dreg:s7], $0x5FFFF;
	_ =	strace $0x9000004C  }
0xb8: {  	s29 =	simm.s32 $0x9;
	_ =	strace $0x8000004E  }
0xb9: {  	_ =	swait.ge [sflag:s29], $0x1  }
0xba: {  	[sflag:s29] =	ssyncadd.s32 $0xFFFFFFFF  }
0xbb: {  	_ =	strace $0x9000004E  }
0xbc: {  	_ =	sfence  }
0xbd: {  	s30 =	sld [smem:$0x0];
	_ =	sdelay $0x2  }
0xbe: {  	s31 =	sshll.u32 s1, $0xD;
	s1 =	sshrl.u32 s1, $0x2  }
0xbf: {  	s3 =	sand.u32 $0x4000, s31;
	s1 =	sadd.s32 s1, s30  }
0xc0: {  	s0 =	sor.u32 s3, s0;
	s1 =	sshll.u32 s1, $0x11  }
0xc1: {  	s0 =	sor.u32 s1, s0  }
0xc2: {  	s0 =	sadd.s32 $0x8F2B, s0  }
0xc3: {  	[sflag:s0] =	ssyncadd.remote.s32 $0x1  }
0xc4: {  	_ =	sfence.sel $0xFFFF  }
0xc5: {  	[dreg:$0x0] =	wrdreg $0xFFFFFFFF;
	(pc) =	sbr.abs _section_cstart, $3  }
0xc6: {  	[dreg:$0x1] =	wrdreg $0xFFFFFFFF  }
0xc7: {  	_ =	task.clear_ibuf [dreg:s7], $0x2FFFF;
	_ =	strace $0x9FFFFFFF  }
0xc8: {  	(tm) =	ssettm $0x7FFFFFFF  }
0xc9: {  	_ =	shalt  }
tec
execute0_lowered:
.L_overlay_start_1:
0x0: {  	(tag) =	ssettag $0x1  }
0x1: {  	s0 =	rddreg [dreg:$0x0];
	s2 =	srdreg.scid  }
0x2: {  	s3 =	rddreg [dreg:$0x1];
	s4 =	sand.u32 $0x1, s2;
	s2 =	simm.s32 $0x0  }
0x3: {  	s11 =	simm.s32 $0xA00;
	[smem:$0x7FF] =	sst s2  }
0x4: {  	s12 =	simm.s32 $0xE00;
	_ =	strace $0x8000004D;
	[dreg:$0xe] =	wrdreg s11  }
0x5: {  	s13 =	simm.s32 $0x1600;
	[dreg:$0xf] =	wrdreg s12  }
0x6: {  	s1 =	stileid.u32;
	s14 =	simm.s32 $0x1A00;
	[dreg:$0x10] =	wrdreg s13  }
0x7: {  	s15 =	simm.s32 $0x2200;
	s16 =	simm.s32 $0x2600;
	[dreg:$0x11] =	wrdreg s14  }
0x8: {  	s17 =	simm.s32 $0x2E00;
	s18 =	simm.s32 $0x3A00;
	[dreg:$0x12] =	wrdreg s15  }
0x9: {  	s20 =	simm.s32 $0x3E00;
	s21 =	simm.s32 $0x4600;
	[dreg:$0x13] =	wrdreg s16  }
0xa: {  	s22 =	simm.s32 $0x4A00;
	s23 =	simm.s32 $0x5200;
	[dreg:$0x14] =	wrdreg s17  }
0xb: {  	s28 =	simm.s32 $0x4;
	s29 =	simm.s32 $0x5;
	[dreg:$0x15] =	wrdreg s18  }
0xc: {  	s30 =	simm.s32 $0x6;
	s31 =	simm.s32 $0x7;
	[dreg:$0x16] =	wrdreg s20  }
0xd: {  	s5 =	sshll.u32 s1, $0x5;
	s7 =	sadd.s32 $0x3200, s0;
	[dreg:$0x17] =	wrdreg s21  }
0xe: {  	s6 =	sshll.u32 s4, $0x4;
	s4 =	ssub.s32 $0x2, s4;
	[dreg:$0x18] =	wrdreg s22  }
0xf: {  	s5 =	sor.u32 s6, s5;
	s19 =	sshrl.u32 s4, $0x1;
	[dreg:$0x19] =	wrdreg s23  }
0x10: {  	s11 =	simm.s32 $0x7600;
	s12 =	simm.s32 $0x7A00;
	s13 =	simm.s32 $0x8200  }
0x11: {  	s14 =	simm.s32 $0x8600;
	s15 =	simm.s32 $0x8E00;
	s16 =	simm.s32 $0x9200  }
0x12: {  	s17 =	simm.s32 $0x9A00;
	s18 =	simm.s32 $0x9E00;
	s20 =	simm.s32 $0xAA00  }
0x13: {  	s21 =	simm.s32 $0xB200;
	s6 =	sadd.s32 s7, s5;
	s8 =	sor.u32 $0x4, s5  }
0x14: {  	s25 =	sor.u32 $0x8, s5;
	[dreg:$0x3] =	wrdreg s6;
	s24 =	sadd.s32 s7, s8  }
0x15: {  	s10 =	sor.u32 $0xC, s5;
	s9 =	sadd.s32 s7, s25;
	[dreg:$0x4] =	wrdreg s24  }
0x16: {  	s5 =	smul.u32 $0x180, s5;
	s7 =	sadd.s32 s7, s10;
	[dreg:$0x5] =	wrdreg s9  }
0x17: {  	s1 =	smul.u32 $0x180, s10;
	s10 =	simm.s32 $0x180;
	[dreg:$0x6] =	wrdreg s7  }
0x18: {  	s6 =	smul.u32 $0x180, s25;
	s25 =	simm.s32 $0x5E00;
	[dreg:$0xd] =	wrdreg s10  }
0x19: {  	s22 =	simm.s32 $0xB600;
	s5 =	sadd.s32 s3, s5;
	[dreg:$0x1b] =	wrdreg s25  }
0x1a: {  	s8 =	smul.u32 $0x180, s8;
	s9 =	simm.s32 $0x100;
	[dreg:$0x7] =	wrdreg s5  }
0x1b: {  	s23 =	simm.s32 $0xBE00;
	s24 =	simm.s32 $0x5600;
	[dreg:$0xc] =	wrdreg s9  }
0x1c: {  	s7 =	simm.s32 $0x200;
	s26 =	sadd.s32 s3, s8;
	[dreg:$0x1a] =	wrdreg s24  }
0x1d: {  	s25 =	simm.s32 $0x2;
	s6 =	sadd.s32 s3, s6;
	[dreg:$0x8] =	wrdreg s26  }
0x1e: {  	s3 =	sadd.s32 s3, s1;
	s8 =	simm.s32 $0x80;
	[dreg:$0x9] =	wrdreg s6  }
0x1f: {  	s9 =	simm.s32 $0x6200;
	s24 =	simm.s32 $0x1;
	[dreg:$0xa] =	wrdreg s3  }
0x20: {  	[dreg:$0xb] =	wrdreg s8;
	s3 =	sadd.s32 $0x3400, s0;
	s6 =	ssub.s32 s4, s19  }
0x21: {  	v2 =	vlaneseq.u32;
	s4 =	sadd.s32 $0x3500, s0;
	s8 =	simm.s32 $0x3200;
	s26 =	simm.s32 $0x6A00  }
0x22: {  	vm0 =	vmmov $0xffff;
	vm1 =	vmmov $0xff;
	v1 =	vshrl.u32 v2, $0x3;
	s19 =	simm.s32 $0xA600;
	s0 =	simm.s32 $0x8;
	s5 =	smax.u32 s6, $0x1  }
0x23: {  	v0 =	vand.u32 $0x7, v2;
	v2 =	vor.u32 $0x8, v2;
	v1 =	vmul.u32 $0x8, v1;
	s6 =	simm.s32 $0x9;
	[dreg:$0x1c] =	wrdreg s26;
	s26 =	simm.s32 $0x3  }
.LBB2_1:
0x24: {  	s1 =	rddreg [dreg:$0x3]  }
0x25: {  	[tilespmem:s2], [sflag:$0x9] =	stream.linear.gather [hbm4b:s1+s2], $0x20, $0x38;
	[tilespmem:$0xC200] =	vst v63  }
0x26: {  	_ =	swait.ge [sflag:s6], $0x20  }
0x27: {  	s1 =	rddreg [dreg:$0x4];
	[sflag:s6] =	ssyncset.done $0x0  }
0x28: {  	s10 =	rddreg [dreg:$0xb];
	[sflag:s6] =	ssyncadd.s32 $0xFFFFFFE0  }
0x29: {  	[tilespmem:s10], [sflag:$0x9] =	stream.linear.gather [hbm4b:s1+s2], $0x20, $0x38;
	[tilespmem:$0xC200] =	vst v63  }
0x2a: {  	_ =	swait.ge [sflag:s6], $0x20  }
0x2b: {  	s1 =	rddreg [dreg:$0x5];
	[sflag:s6] =	ssyncset.done $0x0  }
0x2c: {  	s10 =	rddreg [dreg:$0xc];
	[sflag:s6] =	ssyncadd.s32 $0xFFFFFFE0  }
0x2d: {  	[tilespmem:s10], [sflag:$0x9] =	stream.linear.gather [hbm4b:s1+s2], $0x20, $0x38;
	[tilespmem:$0xC200] =	vst v63  }
0x2e: {  	_ =	swait.ge [sflag:s6], $0x20  }
0x2f: {  	s1 =	rddreg [dreg:$0x6];
	[sflag:s6] =	ssyncset.done $0x0  }
0x30: {  	s10 =	rddreg [dreg:$0xd];
	[sflag:s6] =	ssyncadd.s32 $0xFFFFFFE0  }
0x31: {  	[tilespmem:s10], [sflag:$0x9] =	stream.linear.gather [hbm4b:s1+s2], $0x20, $0x38;
	[tilespmem:$0xC200] =	vst v63  }
0x32: {  	_ =	swait.ge [sflag:s6], $0x20  }
0x33: {  	[sflag:s6] =	ssyncset.done $0x0  }
0x34: {  	[sflag:s6] =	ssyncadd.s32 $0xFFFFFFE0  }
0x35: {  	v3 =	vld [tilespmem:$0x0];
	_ =	sdelay $0x4  }
0x36: {  	v4 =	vshrl.u32 v3, $0x3  }
0x37: {  	v4 =	vmul.u32 $0x18, v4  }
0x38: {  	v3 =	vand.u32 $0x7, v3  }
0x39: {  	v3 =	vor.u32 v3, v4  }
0x3a: {  	v4 =	vperm.xlane v3, v0;
	_ =	sdelay $0x1  }
0x3b: {  	v4 =	vadd.s32 v1, v4;
	_ =	sdelay $0x1  }
0x3c: {  	v3 =	vperm.xlane v3, v2;
	_ =	sdelay $0x1  }
0x3d: {  	v3 =	vadd.s32 v1, v3  }
0x3e: {  	[tilespmem:s7], [sflag:$0x1] =	stream.indirect_vreg.gather [hbm4b:s3+s2], $0x80, v4, vm0, $0xb8;
	[tilespmem:$0xC200] =	vst v63  }
0x3f: {  	s1 =	rddreg [dreg:$0xe]  }
0x40: {  	[tilespmem:s1], [sflag:$0x1] =	stream.indirect_vreg.gather [hbm4b:s4+s2], $0x80, v4, vm1, $0xb8;
	[tilespmem:$0xC200] =	vst v63  }
0x41: {  	s10 =	rddreg [dreg:$0xf]  }
0x42: {  	[tilespmem:s10], [sflag:$0x1] =	stream.indirect_vreg.gather [hbm4b:s3+s2], $0x80, v3, vm0, $0xb8;
	[tilespmem:$0xC200] =	vst v63  }
0x43: {  	s1 =	rddreg [dreg:$0x10]  }
0x44: {  	[tilespmem:s1], [sflag:$0x1] =	stream.indirect_vreg.gather [hbm4b:s4+s2], $0x80, v3, vm1, $0xb8;
	[tilespmem:$0xC200] =	vst v63  }
0x45: {  	v3 =	vld [tilespmem:$0x10];
	_ =	sdelay $0x4  }
0x46: {  	v57 =	vshrl.u32 v3, $0x3  }
0x47: {  	v4 =	vmul.u32 $0x18, v57  }
0x48: {  	v3 =	vand.u32 $0x7, v3  }
0x49: {  	v3 =	vor.u32 v3, v4  }
0x4a: {  	v4 =	vperm.xlane v3, v0;
	_ =	sdelay $0x1  }
0x4b: {  	v4 =	vadd.s32 v1, v4;
	_ =	sdelay $0x1  }
0x4c: {  	v3 =	vperm.xlane v3, v2;
	_ =	sdelay $0x1  }
0x4d: {  	s1 =	rddreg [dreg:$0x11];
	v3 =	vadd.s32 v1, v3  }
0x4e: {  	[tilespmem:s1], [sflag:$0x1] =	stream.indirect_vreg.gather [hbm4b:s3+s2], $0x80, v4, vm0, $0xb8;
	[tilespmem:$0xC200] =	vst v63  }
0x4f: {  	s10 =	rddreg [dreg:$0x12]  }
0x50: {  	[tilespmem:s10], [sflag:$0x1] =	stream.indirect_vreg.gather [hbm4b:s4+s2], $0x80, v4, vm1, $0xb8;
	[tilespmem:$0xC200] =	vst v63  }
0x51: {  	s1 =	rddreg [dreg:$0x13]  }
0x52: {  	[tilespmem:s1], [sflag:$0x1] =	stream.indirect_vreg.gather [hbm4b:s3+s2], $0x80, v3, vm0, $0xb8;
	[tilespmem:$0xC200] =	vst v63  }
0x53: {  	s10 =	rddreg [dreg:$0x14]  }
0x54: {  	[tilespmem:s10], [sflag:$0x1] =	stream.indirect_vreg.gather [hbm4b:s4+s2], $0x80, v3, vm1, $0xb8;
	[tilespmem:$0xC200] =	vst v63  }
0x55: {  	v3 =	vld [tilespmem:$0x80];
	_ =	sdelay $0x4  }
0x56: {  	v58 =	vshrl.u32 v3, $0x3  }
0x57: {  	v4 =	vmul.u32 $0x18, v58  }
0x58: {  	v3 =	vand.u32 $0x7, v3  }
0x59: {  	v3 =	vor.u32 v3, v4  }
0x5a: {  	v4 =	vperm.xlane v3, v0;
	_ =	sdelay $0x1  }
0x5b: {  	v4 =	vadd.s32 v1, v4;
	_ =	sdelay $0x1  }
0x5c: {  	v3 =	vperm.xlane v3, v2;
	_ =	sdelay $0x1  }
0x5d: {  	v3 =	vadd.s32 v1, v3  }
0x5e: {  	[tilespmem:s8], [sflag:$0x2] =	stream.indirect_vreg.gather [hbm4b:s3+s2], $0x80, v4, vm0, $0xb8;
	[tilespmem:$0xC200] =	vst v63  }
0x5f: {  	s1 =	rddreg [dreg:$0x15]  }
0x60: {  	[tilespmem:s1], [sflag:$0x2] =	stream.indirect_vreg.gather [hbm4b:s4+s2], $0x80, v4, vm1, $0xb8;
	[tilespmem:$0xC200] =	vst v63  }
0x61: {  	s10 =	rddreg [dreg:$0x16]  }
0x62: {  	[tilespmem:s10], [sflag:$0x2] =	stream.indirect_vreg.gather [hbm4b:s3+s2], $0x80, v3, vm0, $0xb8;
	[tilespmem:$0xC200] =	vst v63  }
0x63: {  	s1 =	rddreg [dreg:$0x17]  }
0x64: {  	[tilespmem:s1], [sflag:$0x2] =	stream.indirect_vreg.gather [hbm4b:s4+s2], $0x80, v3, vm1, $0xb8;
	[tilespmem:$0xC200] =	vst v63  }
0x65: {  	v3 =	vld [tilespmem:$0x90];
	_ =	sdelay $0x4  }
0x66: {  	v59 =	vshrl.u32 v3, $0x3  }
0x67: {  	v4 =	vmul.u32 $0x18, v59  }
0x68: {  	v3 =	vand.u32 $0x7, v3  }
0x69: {  	v3 =	vor.u32 v3, v4  }
0x6a: {  	v4 =	vperm.xlane v3, v0;
	_ =	sdelay $0x1  }
0x6b: {  	v4 =	vadd.s32 v1, v4;
	_ =	sdelay $0x1  }
0x6c: {  	v3 =	vperm.xlane v3, v2;
	_ =	sdelay $0x1  }
0x6d: {  	s1 =	rddreg [dreg:$0x18];
	v3 =	vadd.s32 v1, v3  }
0x6e: {  	[tilespmem:s1], [sflag:$0x2] =	stream.indirect_vreg.gather [hbm4b:s3+s2], $0x80, v4, vm0, $0xb8;
	[tilespmem:$0xC200] =	vst v63  }
0x6f: {  	s10 =	rddreg [dreg:$0x19]  }
0x70: {  	[tilespmem:s10], [sflag:$0x2] =	stream.indirect_vreg.gather [hbm4b:s4+s2], $0x80, v4, vm1, $0xb8;
	[tilespmem:$0xC200] =	vst v63  }
0x71: {  	s1 =	rddreg [dreg:$0x1a]  }
0x72: {  	[tilespmem:s1], [sflag:$0x2] =	stream.indirect_vreg.gather [hbm4b:s3+s2], $0x80, v3, vm0, $0xb8;
	[tilespmem:$0xC200] =	vst v63  }
0x73: {  	s10 =	rddreg [dreg:$0x1b]  }
0x74: {  	[tilespmem:s10], [sflag:$0x2] =	stream.indirect_vreg.gather [hbm4b:s4+s2], $0x80, v3, vm1, $0xb8;
	[tilespmem:$0xC200] =	vst v63  }
0x75: {  	v3 =	vld [tilespmem:$0x100];
	_ =	sdelay $0x4  }
0x76: {  	v60 =	vshrl.u32 v3, $0x3  }
0x77: {  	v4 =	vmul.u32 $0x18, v60  }
0x78: {  	v3 =	vand.u32 $0x7, v3  }
0x79: {  	v3 =	vor.u32 v3, v4  }
0x7a: {  	v4 =	vperm.xlane v3, v0;
	_ =	sdelay $0x1  }
0x7b: {  	v4 =	vadd.s32 v1, v4;
	_ =	sdelay $0x1  }
0x7c: {  	v3 =	vperm.xlane v3, v2;
	_ =	sdelay $0x1  }
0x7d: {  	v3 =	vadd.s32 v1, v3  }
0x7e: {  	[tilespmem:s9], [sflag:$0x3] =	stream.indirect_vreg.gather [hbm4b:s3+s2], $0x80, v4, vm0, $0xb8;
	[tilespmem:$0xC200] =	vst v63  }
0x7f: {  	s10 =	rddreg [dreg:$0x1c]  }
0x80: {  	[tilespmem:s10], [sflag:$0x3] =	stream.indirect_vreg.gather [hbm4b:s4+s2], $0x80, v4, vm1, $0xb8;
	[tilespmem:$0xC200] =	vst v63  }
0x81: {  	s10 =	simm.s32 $0x6E00  }
0x82: {  	[tilespmem:s10], [sflag:$0x3] =	stream.indirect_vreg.gather [hbm4b:s3+s2], $0x80, v3, vm0, $0xb8;
	[tilespmem:$0xC200] =	vst v63  }
0x83: {  	_ = 	snop  }
0x84: {  	[tilespmem:s11], [sflag:$0x3] =	stream.indirect_vreg.gather [hbm4b:s4+s2], $0x80, v3, vm1, $0xb8;
	[tilespmem:$0xC200] =	vst v63  }
0x85: {  	v3 =	vld [tilespmem:$0x110];
	_ =	sdelay $0x4  }
0x86: {  	v61 =	vshrl.u32 v3, $0x3  }
0x87: {  	v4 =	vmul.u32 $0x18, v61  }
0x88: {  	v3 =	vand.u32 $0x7, v3  }
0x89: {  	v3 =	vor.u32 v3, v4  }
0x8a: {  	v4 =	vperm.xlane v3, v0;
	_ =	sdelay $0x1  }
0x8b: {  	v4 =	vadd.s32 v1, v4;
	_ =	sdelay $0x1  }
0x8c: {  	v3 =	vperm.xlane v3, v2;
	_ =	sdelay $0x1  }
0x8d: {  	v3 =	vadd.s32 v1, v3  }
0x8e: {  	[tilespmem:s12], [sflag:$0x3] =	stream.indirect_vreg.gather [hbm4b:s3+s2], $0x80, v4, vm0, $0xb8;
	[tilespmem:$0xC200] =	vst v63  }
0x8f: {  	_ = 	snop  }
0x90: {  	[tilespmem:s13], [sflag:$0x3] =	stream.indirect_vreg.gather [hbm4b:s4+s2], $0x80, v4, vm1, $0xb8;
	[tilespmem:$0xC200] =	vst v63  }
0x91: {  	_ = 	snop  }
0x92: {  	[tilespmem:s14], [sflag:$0x3] =	stream.indirect_vreg.gather [hbm4b:s3+s2], $0x80, v3, vm0, $0xb8;
	[tilespmem:$0xC200] =	vst v63  }
0x93: {  	_ = 	snop  }
0x94: {  	[tilespmem:s15], [sflag:$0x3] =	stream.indirect_vreg.gather [hbm4b:s4+s2], $0x80, v3, vm1, $0xb8;
	[tilespmem:$0xC200] =	vst v63  }
0x95: {  	v3 =	vld [tilespmem:$0x180];
	_ =	sdelay $0x4  }
0x96: {  	v62 =	vshrl.u32 v3, $0x3  }
0x97: {  	v4 =	vmul.u32 $0x18, v62  }
0x98: {  	v3 =	vand.u32 $0x7, v3  }
0x99: {  	v3 =	vor.u32 v3, v4  }
0x9a: {  	v4 =	vperm.xlane v3, v0;
	_ =	sdelay $0x1  }
0x9b: {  	v4 =	vadd.s32 v1, v4;
	_ =	sdelay $0x1  }
0x9c: {  	v3 =	vperm.xlane v3, v2;
	_ =	sdelay $0x1  }
0x9d: {  	v3 =	vadd.s32 v1, v3  }
0x9e: {  	[tilespmem:s16], [sflag:$0x4] =	stream.indirect_vreg.gather [hbm4b:s3+s2], $0x80, v4, vm0, $0xb8;
	[tilespmem:$0xC200] =	vst v63  }
0x9f: {  	_ = 	snop  }
0xa0: {  	[tilespmem:s17], [sflag:$0x4] =	stream.indirect_vreg.gather [hbm4b:s4+s2], $0x80, v4, vm1, $0xb8;
	[tilespmem:$0xC200] =	vst v63  }
0xa1: {  	_ = 	snop  }
0xa2: {  	[tilespmem:s18], [sflag:$0x4] =	stream.indirect_vreg.gather [hbm4b:s3+s2], $0x80, v3, vm0, $0xb8;
	[tilespmem:$0xC200] =	vst v63  }
0xa3: {  	_ = 	snop  }
0xa4: {  	[tilespmem:s19], [sflag:$0x4] =	stream.indirect_vreg.gather [hbm4b:s4+s2], $0x80, v3, vm1, $0xb8;
	[tilespmem:$0xC200] =	vst v63  }
0xa5: {  	v3 =	vld [tilespmem:$0x190];
	_ =	sdelay $0x4  }
0xa6: {  	v63 =	vshrl.u32 v3, $0x3  }
0xa7: {  	v4 =	vmul.u32 $0x18, v63  }
0xa8: {  	v3 =	vand.u32 $0x7, v3  }
0xa9: {  	v3 =	vor.u32 v3, v4  }
0xaa: {  	v4 =	vperm.xlane v3, v0;
	_ =	sdelay $0x1  }
0xab: {  	v4 =	vadd.s32 v1, v4;
	_ =	sdelay $0x1  }
0xac: {  	v3 =	vperm.xlane v3, v2;
	_ =	sdelay $0x1  }
0xad: {  	v3 =	vadd.s32 v1, v3  }
0xae: {  	[tilespmem:s20], [sflag:$0x4] =	stream.indirect_vreg.gather [hbm4b:s3+s2], $0x80, v4, vm0, $0xb8;
	[tilespmem:$0xC200] =	vst v63  }
0xaf: {  	_ = 	snop  }
0xb0: {  	[tilespmem:s21], [sflag:$0x4] =	stream.indirect_vreg.gather [hbm4b:s4+s2], $0x80, v4, vm1, $0xb8;
	[tilespmem:$0xC200] =	vst v63  }
0xb1: {  	_ = 	snop  }
0xb2: {  	[tilespmem:s22], [sflag:$0x4] =	stream.indirect_vreg.gather [hbm4b:s3+s2], $0x80, v3, vm0, $0xb8;
	[tilespmem:$0xC200] =	vst v63  }
0xb3: {  	_ = 	snop  }
0xb4: {  	[tilespmem:s23], [sflag:$0x4] =	stream.indirect_vreg.gather [hbm4b:s4+s2], $0x80, v3, vm1, $0xb8;
	[tilespmem:$0xC200] =	vst v63  }
0xb5: {  	_ =	swait.ge [sflag:s24], $0x3000  }
0xb6: {  	[sflag:s24] =	ssyncset.done $0x0  }
0xb7: {  	s10 =	rddreg [dreg:$0x7];
	[sflag:s24] =	ssyncadd.s32 $0xFFFFD000  }
0xb8: {  	[hbm4b:s10+s2] =	stream.linear.scatter [tilespmem:s7], [sflag:$0x5], $0x3000, $0x38;
	[tilespmem:$0xC200] =	vst v63  }
0xb9: {  	_ =	swait.ge [sflag:s25], $0x3000  }
0xba: {  	[sflag:s25] =	ssyncset.done $0x0  }
0xbb: {  	s10 =	rddreg [dreg:$0x8];
	[sflag:s25] =	ssyncadd.s32 $0xFFFFD000  }
0xbc: {  	[hbm4b:s10+s2] =	stream.linear.scatter [tilespmem:s8], [sflag:$0x6], $0x3000, $0x38;
	[tilespmem:$0xC200] =	vst v63  }
0xbd: {  	_ =	swait.ge [sflag:s26], $0x3000  }
0xbe: {  	[sflag:s26] =	ssyncset.done $0x0  }
0xbf: {  	s10 =	rddreg [dreg:$0x9];
	[sflag:s26] =	ssyncadd.s32 $0xFFFFD000  }
0xc0: {  	[hbm4b:s10+s2] =	stream.linear.scatter [tilespmem:s9], [sflag:$0x7], $0x3000, $0x38;
	[tilespmem:$0xC200] =	vst v63  }
0xc1: {  	_ =	swait.ge [sflag:s28], $0x3000  }
0xc2: {  	[sflag:s28] =	ssyncset.done $0x0  }
0xc3: {  	s10 =	rddreg [dreg:$0xa];
	[sflag:s28] =	ssyncadd.s32 $0xFFFFD000  }
0xc4: {  	[hbm4b:s10+s2] =	stream.linear.scatter [tilespmem:s16], [sflag:$0x8], $0x3000, $0x38;
	[tilespmem:$0xC200] =	vst v63  }
0xc5: {  	_ =	swait.ge [sflag:s29], $0x3000  }
0xc6: {  	[sflag:s29] =	ssyncset.done $0x0  }
0xc7: {  	[sflag:s29] =	ssyncadd.s32 $0xFFFFD000  }
0xc8: {  	_ =	swait.ge [sflag:s30], $0x3000  }
0xc9: {  	[sflag:s30] =	ssyncset.done $0x0  }
0xca: {  	[sflag:s30] =	ssyncadd.s32 $0xFFFFD000  }
0xcb: {  	p0 =	sne.s32 s5, $0x1;
	_ =	swait.ge [sflag:s31], $0x3000  }
.Ltmp0:
0xcc: {  	[sflag:s31] =	ssyncset.done $0x0;
	(pc) =	sbr.rel @p0 .LBB2_1-.Ltmp0, $4  }
0xcd: {  	[sflag:s31] =	ssyncadd.s32 $0xFFFFD000  }
0xce: {  	_ =	swait.ge [sflag:s0], $0x3000  }
0xcf: {  	[sflag:s0] =	ssyncset.done $0x0  }
0xd0: {  	s5 =	sadd.s32 $0xFFFFFFFF, s5;
	[sflag:s0] =	ssyncadd.s32 $0xFFFFD000  }
0xd1: {  	_ =	sfence.sel $0x180000  }
0xd2: {  	[bflag:$0x0] =	sbarrier.arrive $0xFFFF  }
0xd3: {  	_ =	strace $0x9000004D  }
0xd4: {  	s0 =	stileid.u32;
	[bflag:$0x2] =	sbarrier.arrive $0xFFFF  }
0xd5: {  	p0 =	sne.s32 s0, $0x0;
	s0 =	rddreg [dreg:$0x2]  }
0xd6: {  	s0 =	sadd.s32 @!p0 $0x100000, s0  }
0xd7: {  	[sflag:s0] =	ssyncadd.tile.s32 @!p0 $0x1;
	_ =	shalt  }
.Lfunc_end2:
_tile_overlayer_lowered:
.L_overlay_start_2:
0xd8: {  	(tag) =	ssettag $0x2  }
0xd9: {  	s0 =	rddreg [dreg:$0x0];
	s2 =	stileid.u32  }
0xda: {  	s1 =	rddreg [dreg:$0x1];
	p0 =	sne.s32 s2, $0x0  }
0xdb: {  	s3 =	rddreg [dreg:$0x2];
	[bflag:$0x3] =	sbarrier.arrive $0xFFFF;
	s2 =	simm.s32 @!p0 $0x1C09  }
0xdc: {  	[timem:s3], [sflag:s2] =	dma.local @!p0 [hbm:s0], s1  }
0xdd: {  	s0 =	simm.s32 @!p0 $0x9  }
0xde: {  	_ =	swait.ge @!p0 [sflag:s0], s1  }
0xdf: {  	s1 =	ssub.s32 @!p0 $0x0, s1;
	[sflag:s0] =	ssyncset.done @!p0 $0x0  }
0xe0: {  	[sflag:s0] =	ssyncadd.s32 @!p0 s1  }
0xe1: {  	[bflag:$0x3] =	sbarrier.arrive $0xFFFF  }
0xe2: {  	_ =	shalt  }

</sc_bundles>
